<compile_context>
chip_gen: v7x
topology: tpu7x:2x2x1
jax: 0.10.2.dev20260603
libtpu: 0.0.44.dev20260713+nightly
codegen_flags: <defaults>
</compile_context>

<pallas_src>
import functools

import jax
import jax.numpy as jnp
from jax import lax
from jax.experimental import pallas as pl
from jax.experimental.pallas import tpu as pltpu
from jax.experimental.pallas import tpu_sc as plsc

NUM_FEATURES = 128
NUM_SAMPLES = 100000
N_PAD = 102400
NUM_HARDS = 50
TEMP = 0.07
B = 1024
ROWW = 128
N_COARSE = N_PAD // ROWW
COLS_PER_BLK = 2048
CRS_PER_BLK = COLS_PER_BLK // ROWW
N_CBLK = N_PAD // COLS_PER_BLK
CB = 256
ROWS1 = 256
ROWS2 = 256
ROWS3 = 256
IDX_W = 64
G_PER_TILE = CB * IDX_W // 32
N_CHUNK = G_PER_TILE // 128
NEG_BIG = -9999999.0
NINF = -1e30


def _pass1_body(x_ref, p_ref, tgt_ref, cam_ref, pid_ref, cid_ref,
                sm_ref, gm_ref, acc_ref):
    j = pl.program_id(1)
    x = x_ref[...]
    nrm = jnp.sqrt(jnp.sum(x * x, axis=1, keepdims=True))
    xn = x / jnp.maximum(nrm, 1e-12)
    pb = p_ref[...]
    sims = lax.dot_general(xn, pb, (((1,), (1,)), ((), ())),
                           preferred_element_type=jnp.float32) / TEMP
    t = tgt_ref[:, 0:1]
    cm = cam_ref[:, 0:1]
    p = pid_ref[0]
    cd = cid_ref[0]
    eq = t == p
    neg = (p >= 0.0) & ~eq
    pos = eq & (cm != cd)
    sm = jnp.where(neg, sims, sims + NEG_BIG)
    sm3 = sm.reshape(ROWS1, CRS_PER_BLK, ROWW)
    sm_ref[...] = sm3
    gm_ref[...] = jnp.max(sm3, axis=2).reshape(1, ROWS1, CRS_PER_BLK)

    pe = jnp.where(pos, sims, NINF)
    bm = jnp.max(pe, axis=1, keepdims=True)
    bsum = jnp.sum(jnp.exp(pe - bm), axis=1, keepdims=True)
    bsp = jnp.sum(jnp.where(pos, sims, 0.0), axis=1, keepdims=True)
    bcnt = jnp.sum(jnp.where(pos, 1.0, 0.0), axis=1, keepdims=True)

    @pl.when(j == 0)
    def _():
        lanes = lax.broadcasted_iota(jnp.int32, (ROWS1, 8), 1)
        acc_ref[...] = jnp.where(lanes == 0, NINF, 0.0)

    mo = acc_ref[:, 0:1]
    so = acc_ref[:, 1:2]
    mn = jnp.maximum(mo, bm)
    sn = so * jnp.exp(mo - mn) + bsum * jnp.exp(bm - mn)
    acc_ref[:, 0:1] = mn
    acc_ref[:, 1:2] = sn
    acc_ref[:, 2:3] = acc_ref[:, 2:3] + bsp
    acc_ref[:, 3:4] = acc_ref[:, 3:4] + bcnt


def _pass2_body(gm_ref, idx_ref, v_ref):
    i0 = pl.program_id(0)
    v_ref[...] = gm_ref[...]
    colio = lax.broadcasted_iota(jnp.int32, (ROWS2, N_COARSE), 1)
    slot = lax.broadcasted_iota(jnp.int32, (ROWS2, IDX_W), 1)
    rbase = (lax.broadcasted_iota(jnp.int32, (ROWS2, 1), 0)
             + i0 * ROWS2) * N_COARSE

    def it(i, acc):
        v = v_ref[...]
        mi = jnp.max(v, axis=1, keepdims=True)
        am = jnp.max(jnp.where(v == mi, colio, -1), axis=1, keepdims=True)
        v_ref[...] = jnp.where(colio == am, -3.0e38, v)
        gidx = jnp.broadcast_to(rbase + am, (ROWS2, IDX_W))
        return jnp.where(slot == i, gidx, acc)

    acc = lax.fori_loop(0, NUM_HARDS,
                        it, jnp.zeros((ROWS2, IDX_W), jnp.int32))
    idx_ref[...] = acc


def _sc_gather_body(idx_hbm, table_hbm, out_hbm, idx_v, buf0, buf1,
                    sem0, sem1):
    c = lax.axis_index("c")
    s = lax.axis_index("s")
    wid = s * 2 + c
    pltpu.sync_copy(idx_hbm.at[wid], idx_v)
    bufs = (buf0, buf1)
    sems = (sem0, sem1)
    nch = N_CHUNK // 2

    def fire(ch):
        b = ch % 2
        return [
            pltpu.async_copy(table_hbm.at[idx_v.at[2 * ch + r]],
                             bufs[b].at[pl.ds(r * 128, 128)], sems[b])
            for r in range(2)
        ]

    pend = fire(0)
    for ch in range(nch):
        nxt = fire(ch + 1) if ch + 1 < nch else []
        for cp in pend:
            cp.wait()
        pltpu.sync_copy(
            bufs[ch % 2],
            out_hbm.at[pl.ds(wid * G_PER_TILE + ch * 256, 256)])
        pend = nxt


def _pass3_body(cand_ref, acc_ref, out_ref, v_ref):
    i0 = pl.program_id(0)
    ncand = NUM_HARDS * ROWW
    cands = cand_ref[:, :ncand]
    v_ref[...] = cands
    m_top = jnp.max(cands, axis=1, keepdims=True)

    def it(i, stot):
        v = v_ref[...]
        mi = jnp.max(v, axis=1, keepdims=True)
        v_ref[...] = jnp.where(v == mi, -3.0e38, v)
        return stot + jnp.exp(mi - m_top)

    sneg = lax.fori_loop(0, NUM_HARDS, it, jnp.zeros((ROWS3, 1), jnp.float32))

    m_pos = acc_ref[:, 0:1]
    s_pos = acc_ref[:, 1:2]
    sum_pos = acc_ref[:, 2:3]
    cnt = acc_ref[:, 3:4]
    m = jnp.maximum(m_pos, m_top)
    lse = m + jnp.log(s_pos * jnp.exp(m_pos - m) + sneg * jnp.exp(m_top - m))
    mean_pos = sum_pos / jnp.maximum(cnt, 1.0)
    per_row = jnp.where(cnt > 0, lse - mean_pos, 0.0)
    partial = jnp.sum(per_row) * (1.0 / B)

    @pl.when(i0 == 0)
    def _():
        out_ref[...] = jnp.zeros((8, 128), jnp.float32)

    out_ref[...] = out_ref[...] + lax.broadcast_in_dim(partial, (8, 128), ())


def _run_pass1(xn, proxy_p, tgt, cam, pid3, cid3):
    return pl.pallas_call(
        _pass1_body,
        grid=(CB // ROWS1, N_CBLK),
        in_specs=[
            pl.BlockSpec((ROWS1, NUM_FEATURES), lambda i, j: (i, 0)),
            pl.BlockSpec((COLS_PER_BLK, NUM_FEATURES), lambda i, j: (j, 0)),
            pl.BlockSpec((ROWS1, 8), lambda i, j: (i, 0)),
            pl.BlockSpec((ROWS1, 8), lambda i, j: (i, 0)),
            pl.BlockSpec((1, 1, COLS_PER_BLK), lambda i, j: (j, 0, 0)),
            pl.BlockSpec((1, 1, COLS_PER_BLK), lambda i, j: (j, 0, 0)),
        ],
        out_specs=[
            pl.BlockSpec((ROWS1, CRS_PER_BLK, ROWW), lambda i, j: (i, j, 0)),
            pl.BlockSpec((1, ROWS1, CRS_PER_BLK), lambda i, j: (j, i, 0)),
            pl.BlockSpec((ROWS1, 8), lambda i, j: (i, 0)),
        ],
        out_shape=[
            jax.ShapeDtypeStruct((CB, N_COARSE, ROWW), jnp.float32),
            jax.ShapeDtypeStruct((N_CBLK, CB, CRS_PER_BLK), jnp.float32),
            jax.ShapeDtypeStruct((CB, 8), jnp.float32),
        ],
    )(xn, proxy_p, tgt, cam, pid3, cid3)


def _run_pass2(gm):
    return pl.pallas_call(
        _pass2_body,
        grid=(CB // ROWS2,),
        in_specs=[pl.BlockSpec((ROWS2, N_COARSE), lambda i: (i, 0))],
        out_specs=pl.BlockSpec((ROWS2, IDX_W), lambda i: (i, 0)),
        out_shape=jax.ShapeDtypeStruct((CB, IDX_W), jnp.int32),
        scratch_shapes=[pltpu.VMEM((ROWS2, N_COARSE), jnp.float32)],
    )(gm)


@functools.partial(
    pl.kernel,
    out_type=jax.ShapeDtypeStruct((CB * IDX_W, ROWW), jnp.float32),
    mesh=plsc.VectorSubcoreMesh(core_axis_name="c", subcore_axis_name="s"),
    scratch_types=[
        pltpu.VMEM((N_CHUNK, 128), jnp.int32),
        pltpu.VMEM((256, ROWW), jnp.float32),
        pltpu.VMEM((256, ROWW), jnp.float32),
        pltpu.SemaphoreType.DMA,
        pltpu.SemaphoreType.DMA,
    ],
)
def _sc_gather(idx_hbm, table_hbm, out_hbm, idx_v, buf0, buf1, sem0, sem1):
    _sc_gather_body(idx_hbm, table_hbm, out_hbm, idx_v, buf0, buf1,
                    sem0, sem1)


def _run_pass3(cand, acc):
    return pl.pallas_call(
        _pass3_body,
        grid=(CB // ROWS3,),
        in_specs=[
            pl.BlockSpec((ROWS3, IDX_W * ROWW), lambda i: (i, 0)),
            pl.BlockSpec((ROWS3, 8), lambda i: (i, 0)),
        ],
        out_specs=pl.BlockSpec((8, 128), lambda i: (0, 0)),
        out_shape=jax.ShapeDtypeStruct((8, 128), jnp.float32),
        scratch_shapes=[pltpu.VMEM((ROWS3, NUM_HARDS * ROWW), jnp.float32)],
    )(cand, acc)


def kernel(inputs, targets, cams, proxy, pids, cids):
    f32 = jnp.float32
    proxy_p = jnp.pad(proxy, ((0, N_PAD - NUM_SAMPLES), (0, 0)))
    pad_i = jnp.full((N_PAD - NUM_SAMPLES,), -1, pids.dtype)
    pid3 = jnp.concatenate([pids, pad_i]).astype(f32).reshape(N_CBLK, 1,
                                                              COLS_PER_BLK)
    cid3 = jnp.concatenate([cids, pad_i]).astype(f32).reshape(N_CBLK, 1,
                                                              COLS_PER_BLK)
    tgt = jnp.broadcast_to(targets.astype(f32)[:, None], (B, 8))
    cam = jnp.broadcast_to(cams.astype(f32)[:, None], (B, 8))

    loss = jnp.float32(0.0)
    for c in range(B // CB):
        sl = slice(c * CB, (c + 1) * CB)
        sm, gm, acc = _run_pass1(inputs[sl].astype(f32), proxy_p,
                                 tgt[sl], cam[sl], pid3, cid3)
        idx = _run_pass2(gm.swapaxes(0, 1).reshape(CB, N_COARSE))
        table = sm.reshape(CB * N_COARSE, ROWW)
        cand = _sc_gather(idx.reshape(32, N_CHUNK, 128), table)
        out = _run_pass3(cand.reshape(CB, IDX_W * ROWW), acc)
        loss = loss + out[0, 0]
    return loss

# --- scband reference (transcript-rebuilt; emitter-appended) ---
"""Pipeline reference for scband-inter-cam-proxy-43989055045832 (READ-ONLY COPY).

The authoritative reference and input builder live on the scoring server;
editing this copy changes nothing except your own understanding.
"""

import jax, jax.numpy as jnp
import numpy as np
from jax.scipy.special import logsumexp

NUM_FEATURES = 128
NUM_SAMPLES = 100000
NUM_HARDS = 50
TEMP = 0.07
B = 1024
NUM_PIDS = 1000
NUM_CAMS = 8


def setup_inputs(seed: int = 0) -> dict:
    key = jax.random.key(seed)
    k1, k2, k3, k4, k5, k6 = jax.random.split(key, 6)
    inputs = jax.random.normal(k1, (B, NUM_FEATURES), dtype=jnp.float32)
    targets = jax.random.randint(k2, (B,), 0, NUM_PIDS, dtype=jnp.int64 if jax.config.jax_enable_x64 else jnp.int32)
    cams = jax.random.randint(k3, (B,), 0, NUM_CAMS, dtype=jnp.int64 if jax.config.jax_enable_x64 else jnp.int32)
    # Buffers (in training these are filled with camera-aware proxy features / labels)
    proxy = jax.random.normal(k4, (NUM_SAMPLES, NUM_FEATURES), dtype=jnp.float32)
    pids = jax.random.randint(k5, (NUM_SAMPLES,), 0, NUM_PIDS, dtype=jnp.int64 if jax.config.jax_enable_x64 else jnp.int32)
    cids = jax.random.randint(k6, (NUM_SAMPLES,), 0, NUM_CAMS, dtype=jnp.int64 if jax.config.jax_enable_x64 else jnp.int32)
    return {"inputs": inputs, "targets": targets, "cams": cams, "proxy": proxy, "pids": pids, "cids": cids}


def reference(inputs, targets, cams, proxy, pids, cids):
    # F.normalize(inputs, dim=1) with eps=1e-12
    norm = jnp.linalg.norm(inputs, axis=1, keepdims=True)
    x = inputs / jnp.maximum(norm, 1e-12)
    sims = (x @ proxy.T) / TEMP  # [B, NUM_SAMPLES]

    pos_mask = (targets[:, None] == pids[None, :]) & (cams[:, None] != cids[None, :])  # [B, N]
    neg_mask = (targets[:, None] != pids[None, :])  # [B, N]
    pos_mask_f = pos_mask.astype(jnp.float32)
    neg_mask_f = neg_mask.astype(jnp.float32)

    # Hard-negative mining on detached sims (temp_sims = sims.detach().clone())
    temp_sims = jax.lax.stop_gradient(sims)
    masked_for_topk = temp_sims + (-9999999.0) * (1.0 - neg_mask_f)
    _, hard_neg_idx = jax.lax.top_k(masked_for_topk, NUM_HARDS)  # [B, NUM_HARDS]
    neg_vals = jnp.take_along_axis(sims, hard_neg_idx, axis=1)   # gather non-detached sims

    # Per-row: loss_i = -(targets_i * logsoftmax(sims_i)).sum()
    #        = logsumexp(concat(pos_vals, neg_vals)) - mean(pos_vals)
    pos_count = pos_mask_f.sum(axis=1)  # [B]
    pos_vals = jnp.where(pos_mask, sims, -1e30)
    lse = logsumexp(jnp.concatenate([pos_vals, neg_vals], axis=1), axis=1)  # [B]
    mean_pos = (sims * pos_mask_f).sum(axis=1) / jnp.maximum(pos_count, 1.0)
    per_row = jnp.where(pos_count > 0, lse - mean_pos, 0.0)  # rows with no positives are skipped

    loss = per_row.sum() / B
    return loss


if False:  # reference __main__ guard neutralized (emitter)
    out = reference(**setup_inputs())
    print(out)

if __name__ == "__main__":
    import jax
    _d = setup_inputs()
    print(jax.jit(kernel)(*tuple(_d.values())))

</pallas_src>

<mosaic_0001>
#map = affine_map<(d0, d1) -> (0, 0, 0)>
#map1 = affine_map<(d0, d1) -> (0, 0)>
module attributes {stable_mosaic.version = 14 : i64} {
  func.func @_sc_gather(%arg0: i32, %arg1: i32, %arg2: memref<32x4x128xi32, #tpu.memory_space<hbm>>, %arg3: memref<204800x128xf32, #tpu.memory_space<hbm>>, %arg4: memref<16384x128xf32, #tpu.memory_space<hbm>>, %arg5: memref<4x128xi32, #tpu.memory_space<vmem>>, %arg6: memref<256x128xf32, #tpu.memory_space<vmem>>, %arg7: memref<256x128xf32, #tpu.memory_space<vmem>>, %arg8: memref<!tpu.dma_semaphore, #tpu.memory_space<semaphore_mem>>, %arg9: memref<!tpu.dma_semaphore, #tpu.memory_space<semaphore_mem>>) attributes {dimension_semantics = [#tpu.dimension_semantics<core_parallel>, #tpu.dimension_semantics<subcore_parallel>], iteration_bounds = array<i64: 2, 16>, scalar_prefetch = 0 : i64, scratch_operands = 5 : i64, tpu.core_type = #tpu.core_type<sc_vector_subcore>, window_params = [{transform_indices = #map}, {transform_indices = #map1}, {transform_indices = #map1}]} {
    %mul3A = arith.constant 2 : i32
    %mul3A_0 = arith.muli %arg1, %mul3A : i32
    %add3A = arith.addi %mul3A_0, %arg0 : i32
    "tpu.region"() ({
      %run_scoped3A = tpu.sem_alloc : memref<!tpu.dma_semaphore, #tpu.memory_space<semaphore_mem>>
      %dma_start3A_87 = arith.constant 0 : i32
      %dma_start3A_88 = arith.constant 0 : i32
      %dma_start3A_89 = tpu.memref_slice %arg2[%add3A, %dma_start3A_87, %dma_start3A_88] : memref<32x4x128xi32, #tpu.memory_space<hbm>> -> memref<1x4x128xi32, #tpu.memory_space<hbm>>
      %dma_start3A_90 = tpu.memref_squeeze %dma_start3A_89 : memref<1x4x128xi32, #tpu.memory_space<hbm>> -> memref<4x128xi32, #tpu.memory_space<hbm>>
      %dma_start3A_91 = arith.constant 0 : i32
      %dma_start3A_92 = arith.constant 0 : i32
      %dma_start3A_93 = tpu.memref_slice %arg2[%add3A, %dma_start3A_91, %dma_start3A_92] : memref<32x4x128xi32, #tpu.memory_space<hbm>> -> memref<1x4x128xi32, #tpu.memory_space<hbm>>
      %dma_start3A_94 = tpu.memref_squeeze %dma_start3A_93 : memref<1x4x128xi32, #tpu.memory_space<hbm>> -> memref<4x128xi32, #tpu.memory_space<hbm>>
      tpu.enqueue_dma source(%dma_start3A_94 : memref<4x128xi32, #tpu.memory_space<hbm>>) target(%arg5 : memref<4x128xi32, #tpu.memory_space<vmem>>) target_semaphore(%run_scoped3A : memref<!tpu.dma_semaphore, #tpu.memory_space<semaphore_mem>>)
      %dma_wait3A_95 = arith.constant 0 : i32
      %dma_wait3A_96 = arith.constant 0 : i32
      %dma_wait3A_97 = tpu.memref_slice %arg2[%add3A, %dma_wait3A_95, %dma_wait3A_96] : memref<32x4x128xi32, #tpu.memory_space<hbm>> -> memref<1x4x128xi32, #tpu.memory_space<hbm>>
      %dma_wait3A_98 = tpu.memref_squeeze %dma_wait3A_97 : memref<1x4x128xi32, #tpu.memory_space<hbm>> -> memref<4x128xi32, #tpu.memory_space<hbm>>
      %dma_wait3A_99 = arith.constant 0 : i32
      %dma_wait3A_100 = arith.constant 0 : i32
      %dma_wait3A_101 = tpu.memref_slice %arg2[%add3A, %dma_wait3A_99, %dma_wait3A_100] : memref<32x4x128xi32, #tpu.memory_space<hbm>> -> memref<1x4x128xi32, #tpu.memory_space<hbm>>
      %dma_wait3A_102 = tpu.memref_squeeze %dma_wait3A_101 : memref<1x4x128xi32, #tpu.memory_space<hbm>> -> memref<4x128xi32, #tpu.memory_space<hbm>>
      tpu.wait_dma2 semaphore(%run_scoped3A : memref<!tpu.dma_semaphore, #tpu.memory_space<semaphore_mem>>) src(%dma_wait3A_102 : memref<4x128xi32, #tpu.memory_space<hbm>>) dst(%arg5 : memref<4x128xi32, #tpu.memory_space<vmem>>)
      tpu.yield
    }) : () -> ()
    %dma_start3A = arith.constant 0 : i32
    %dma_start3A_1 = arith.constant 0 : i32
    %dma_start3A_2 = arith.constant 0 : i32
    %dma_start3A_3 = tpu.memref_slice %arg6[%dma_start3A_1, %dma_start3A_2] : memref<256x128xf32, #tpu.memory_space<vmem>> -> memref<128x128xf32, #tpu.memory_space<vmem>>
    %dma_start3A_4 = arith.constant 0 : i32
    %dma_start3A_5 = tpu.memref_slice %arg5[%dma_start3A, %dma_start3A_4] : memref<4x128xi32, #tpu.memory_space<vmem>> -> memref<1x128xi32, #tpu.memory_space<vmem>>
    %dma_start3A_6 = tpu.memref_squeeze %dma_start3A_5 : memref<1x128xi32, #tpu.memory_space<vmem>> -> memref<128xi32, #tpu.memory_space<vmem>>
    %dma_start3A_7 = arith.constant 0 : i32
    %dma_start3A_8 = arith.constant 0 : i32
    %dma_start3A_9 = tpu.memref_slice %arg3[%dma_start3A_7, %dma_start3A_8] : memref<204800x128xf32, #tpu.memory_space<hbm>> -> memref<204800x128xf32, #tpu.memory_space<hbm>>
    tpu.enqueue_indirect_dma source(%dma_start3A_9 : memref<204800x128xf32, #tpu.memory_space<hbm>>) target(%dma_start3A_3 : memref<128x128xf32, #tpu.memory_space<vmem>>) offsets(%dma_start3A_6 : memref<128xi32, #tpu.memory_space<vmem>>) semaphore(%arg8 : memref<!tpu.dma_semaphore, #tpu.memory_space<semaphore_mem>>)
    %dma_start3A_10 = arith.constant 1 : i32
    %dma_start3A_11 = arith.constant 128 : i32
    %dma_start3A_12 = arith.constant 0 : i32
    %dma_start3A_13 = tpu.memref_slice %arg6[%dma_start3A_11, %dma_start3A_12] : memref<256x128xf32, #tpu.memory_space<vmem>> -> memref<128x128xf32, #tpu.memory_space<vmem>>
    %dma_start3A_14 = arith.constant 0 : i32
    %dma_start3A_15 = tpu.memref_slice %arg5[%dma_start3A_10, %dma_start3A_14] : memref<4x128xi32, #tpu.memory_space<vmem>> -> memref<1x128xi32, #tpu.memory_space<vmem>>
    %dma_start3A_16 = tpu.memref_squeeze %dma_start3A_15 : memref<1x128xi32, #tpu.memory_space<vmem>> -> memref<128xi32, #tpu.memory_space<vmem>>
    %dma_start3A_17 = arith.constant 0 : i32
    %dma_start3A_18 = arith.constant 0 : i32
    %dma_start3A_19 = tpu.memref_slice %arg3[%dma_start3A_17, %dma_start3A_18] : memref<204800x128xf32, #tpu.memory_space<hbm>> -> memref<204800x128xf32, #tpu.memory_space<hbm>>
    tpu.enqueue_indirect_dma source(%dma_start3A_19 : memref<204800x128xf32, #tpu.memory_space<hbm>>) target(%dma_start3A_13 : memref<128x128xf32, #tpu.memory_space<vmem>>) offsets(%dma_start3A_16 : memref<128xi32, #tpu.memory_space<vmem>>) semaphore(%arg8 : memref<!tpu.dma_semaphore, #tpu.memory_space<semaphore_mem>>)
    %dma_start3A_20 = arith.constant 2 : i32
    %dma_start3A_21 = arith.constant 0 : i32
    %dma_start3A_22 = arith.constant 0 : i32
    %dma_start3A_23 = tpu.memref_slice %arg7[%dma_start3A_21, %dma_start3A_22] : memref<256x128xf32, #tpu.memory_space<vmem>> -> memref<128x128xf32, #tpu.memory_space<vmem>>
    %dma_start3A_24 = arith.constant 0 : i32
    %dma_start3A_25 = tpu.memref_slice %arg5[%dma_start3A_20, %dma_start3A_24] : memref<4x128xi32, #tpu.memory_space<vmem>> -> memref<1x128xi32, #tpu.memory_space<vmem>>
    %dma_start3A_26 = tpu.memref_squeeze %dma_start3A_25 : memref<1x128xi32, #tpu.memory_space<vmem>> -> memref<128xi32, #tpu.memory_space<vmem>>
    %dma_start3A_27 = arith.constant 0 : i32
    %dma_start3A_28 = arith.constant 0 : i32
    %dma_start3A_29 = tpu.memref_slice %arg3[%dma_start3A_27, %dma_start3A_28] : memref<204800x128xf32, #tpu.memory_space<hbm>> -> memref<204800x128xf32, #tpu.memory_space<hbm>>
    tpu.enqueue_indirect_dma source(%dma_start3A_29 : memref<204800x128xf32, #tpu.memory_space<hbm>>) target(%dma_start3A_23 : memref<128x128xf32, #tpu.memory_space<vmem>>) offsets(%dma_start3A_26 : memref<128xi32, #tpu.memory_space<vmem>>) semaphore(%arg9 : memref<!tpu.dma_semaphore, #tpu.memory_space<semaphore_mem>>)
    %dma_start3A_30 = arith.constant 3 : i32
    %dma_start3A_31 = arith.constant 128 : i32
    %dma_start3A_32 = arith.constant 0 : i32
    %dma_start3A_33 = tpu.memref_slice %arg7[%dma_start3A_31, %dma_start3A_32] : memref<256x128xf32, #tpu.memory_space<vmem>> -> memref<128x128xf32, #tpu.memory_space<vmem>>
    %dma_start3A_34 = arith.constant 0 : i32
    %dma_start3A_35 = tpu.memref_slice %arg5[%dma_start3A_30, %dma_start3A_34] : memref<4x128xi32, #tpu.memory_space<vmem>> -> memref<1x128xi32, #tpu.memory_space<vmem>>
    %dma_start3A_36 = tpu.memref_squeeze %dma_start3A_35 : memref<1x128xi32, #tpu.memory_space<vmem>> -> memref<128xi32, #tpu.memory_space<vmem>>
    %dma_start3A_37 = arith.constant 0 : i32
    %dma_start3A_38 = arith.constant 0 : i32
    %dma_start3A_39 = tpu.memref_slice %arg3[%dma_start3A_37, %dma_start3A_38] : memref<204800x128xf32, #tpu.memory_space<hbm>> -> memref<204800x128xf32, #tpu.memory_space<hbm>>
    tpu.enqueue_indirect_dma source(%dma_start3A_39 : memref<204800x128xf32, #tpu.memory_space<hbm>>) target(%dma_start3A_33 : memref<128x128xf32, #tpu.memory_space<vmem>>) offsets(%dma_start3A_36 : memref<128xi32, #tpu.memory_space<vmem>>) semaphore(%arg9 : memref<!tpu.dma_semaphore, #tpu.memory_space<semaphore_mem>>)
    %dma_wait3A = arith.constant 0 : i32
    %dma_wait3A_40 = arith.constant 0 : i32
    %dma_wait3A_41 = arith.constant 0 : i32
    %dma_wait3A_42 = tpu.memref_slice %arg6[%dma_wait3A_40, %dma_wait3A_41] : memref<256x128xf32, #tpu.memory_space<vmem>> -> memref<128x128xf32, #tpu.memory_space<vmem>>
    %dma_wait3A_43 = arith.constant 0 : i32
    %dma_wait3A_44 = tpu.memref_slice %arg5[%dma_wait3A, %dma_wait3A_43] : memref<4x128xi32, #tpu.memory_space<vmem>> -> memref<1x128xi32, #tpu.memory_space<vmem>>
    %dma_wait3A_45 = tpu.memref_squeeze %dma_wait3A_44 : memref<1x128xi32, #tpu.memory_space<vmem>> -> memref<128xi32, #tpu.memory_space<vmem>>
    %dma_wait3A_46 = arith.constant 0 : i32
    %dma_wait3A_47 = arith.constant 0 : i32
    %dma_wait3A_48 = tpu.memref_slice %arg3[%dma_wait3A_46, %dma_wait3A_47] : memref<204800x128xf32, #tpu.memory_space<hbm>> -> memref<204800x128xf32, #tpu.memory_space<hbm>>
    tpu.wait_indirect_dma semaphore(%arg8 : memref<!tpu.dma_semaphore, #tpu.memory_space<semaphore_mem>>) src(%dma_wait3A_48 : memref<204800x128xf32, #tpu.memory_space<hbm>>) dst(%dma_wait3A_42 : memref<128x128xf32, #tpu.memory_space<vmem>>)
    %dma_wait3A_49 = arith.constant 1 : i32
    %dma_wait3A_50 = arith.constant 128 : i32
    %dma_wait3A_51 = arith.constant 0 : i32
    %dma_wait3A_52 = tpu.memref_slice %arg6[%dma_wait3A_50, %dma_wait3A_51] : memref<256x128xf32, #tpu.memory_space<vmem>> -> memref<128x128xf32, #tpu.memory_space<vmem>>
    %dma_wait3A_53 = arith.constant 0 : i32
    %dma_wait3A_54 = tpu.memref_slice %arg5[%dma_wait3A_49, %dma_wait3A_53] : memref<4x128xi32, #tpu.memory_space<vmem>> -> memref<1x128xi32, #tpu.memory_space<vmem>>
    %dma_wait3A_55 = tpu.memref_squeeze %dma_wait3A_54 : memref<1x128xi32, #tpu.memory_space<vmem>> -> memref<128xi32, #tpu.memory_space<vmem>>
    %dma_wait3A_56 = arith.constant 0 : i32
    %dma_wait3A_57 = arith.constant 0 : i32
    %dma_wait3A_58 = tpu.memref_slice %arg3[%dma_wait3A_56, %dma_wait3A_57] : memref<204800x128xf32, #tpu.memory_space<hbm>> -> memref<204800x128xf32, #tpu.memory_space<hbm>>
    tpu.wait_indirect_dma semaphore(%arg8 : memref<!tpu.dma_semaphore, #tpu.memory_space<semaphore_mem>>) src(%dma_wait3A_58 : memref<204800x128xf32, #tpu.memory_space<hbm>>) dst(%dma_wait3A_52 : memref<128x128xf32, #tpu.memory_space<vmem>>)
    %mul3A_59 = arith.constant 512 : i32
    %mul3A_60 = arith.muli %add3A, %mul3A_59 : i32
    %add3A_61 = arith.constant 0 : i32
    %add3A_62 = arith.addi %mul3A_60, %add3A_61 : i32
    "tpu.region"() ({
      %run_scoped3A = tpu.sem_alloc : memref<!tpu.dma_semaphore, #tpu.memory_space<semaphore_mem>>
      %dma_start3A_87 = arith.constant 0 : i32
      %dma_start3A_88 = tpu.memref_slice %arg4[%add3A_62, %dma_start3A_87] : memref<16384x128xf32, #tpu.memory_space<hbm>> -> memref<256x128xf32, #tpu.memory_space<hbm>>
      %dma_start3A_89 = arith.constant 0 : i32
      %dma_start3A_90 = tpu.memref_slice %arg4[%add3A_62, %dma_start3A_89] : memref<16384x128xf32, #tpu.memory_space<hbm>> -> memref<256x128xf32, #tpu.memory_space<hbm>>
      tpu.enqueue_dma source(%arg6 : memref<256x128xf32, #tpu.memory_space<vmem>>) target(%dma_start3A_90 : memref<256x128xf32, #tpu.memory_space<hbm>>) target_semaphore(%run_scoped3A : memref<!tpu.dma_semaphore, #tpu.memory_space<semaphore_mem>>)
      %dma_wait3A_91 = arith.constant 0 : i32
      %dma_wait3A_92 = tpu.memref_slice %arg4[%add3A_62, %dma_wait3A_91] : memref<16384x128xf32, #tpu.memory_space<hbm>> -> memref<256x128xf32, #tpu.memory_space<hbm>>
      %dma_wait3A_93 = arith.constant 0 : i32
      %dma_wait3A_94 = tpu.memref_slice %arg4[%add3A_62, %dma_wait3A_93] : memref<16384x128xf32, #tpu.memory_space<hbm>> -> memref<256x128xf32, #tpu.memory_space<hbm>>
      tpu.wait_dma2 semaphore(%run_scoped3A : memref<!tpu.dma_semaphore, #tpu.memory_space<semaphore_mem>>) src(%arg6 : memref<256x128xf32, #tpu.memory_space<vmem>>) dst(%dma_wait3A_94 : memref<256x128xf32, #tpu.memory_space<hbm>>)
      tpu.yield
    }) : () -> ()
    %dma_wait3A_63 = arith.constant 2 : i32
    %dma_wait3A_64 = arith.constant 0 : i32
    %dma_wait3A_65 = arith.constant 0 : i32
    %dma_wait3A_66 = tpu.memref_slice %arg7[%dma_wait3A_64, %dma_wait3A_65] : memref<256x128xf32, #tpu.memory_space<vmem>> -> memref<128x128xf32, #tpu.memory_space<vmem>>
    %dma_wait3A_67 = arith.constant 0 : i32
    %dma_wait3A_68 = tpu.memref_slice %arg5[%dma_wait3A_63, %dma_wait3A_67] : memref<4x128xi32, #tpu.memory_space<vmem>> -> memref<1x128xi32, #tpu.memory_space<vmem>>
    %dma_wait3A_69 = tpu.memref_squeeze %dma_wait3A_68 : memref<1x128xi32, #tpu.memory_space<vmem>> -> memref<128xi32, #tpu.memory_space<vmem>>
    %dma_wait3A_70 = arith.constant 0 : i32
    %dma_wait3A_71 = arith.constant 0 : i32
    %dma_wait3A_72 = tpu.memref_slice %arg3[%dma_wait3A_70, %dma_wait3A_71] : memref<204800x128xf32, #tpu.memory_space<hbm>> -> memref<204800x128xf32, #tpu.memory_space<hbm>>
    tpu.wait_indirect_dma semaphore(%arg9 : memref<!tpu.dma_semaphore, #tpu.memory_space<semaphore_mem>>) src(%dma_wait3A_72 : memref<204800x128xf32, #tpu.memory_space<hbm>>) dst(%dma_wait3A_66 : memref<128x128xf32, #tpu.memory_space<vmem>>)
    %dma_wait3A_73 = arith.constant 3 : i32
    %dma_wait3A_74 = arith.constant 128 : i32
    %dma_wait3A_75 = arith.constant 0 : i32
    %dma_wait3A_76 = tpu.memref_slice %arg7[%dma_wait3A_74, %dma_wait3A_75] : memref<256x128xf32, #tpu.memory_space<vmem>> -> memref<128x128xf32, #tpu.memory_space<vmem>>
    %dma_wait3A_77 = arith.constant 0 : i32
    %dma_wait3A_78 = tpu.memref_slice %arg5[%dma_wait3A_73, %dma_wait3A_77] : memref<4x128xi32, #tpu.memory_space<vmem>> -> memref<1x128xi32, #tpu.memory_space<vmem>>
    %dma_wait3A_79 = tpu.memref_squeeze %dma_wait3A_78 : memref<1x128xi32, #tpu.memory_space<vmem>> -> memref<128xi32, #tpu.memory_space<vmem>>
    %dma_wait3A_80 = arith.constant 0 : i32
    %dma_wait3A_81 = arith.constant 0 : i32
    %dma_wait3A_82 = tpu.memref_slice %arg3[%dma_wait3A_80, %dma_wait3A_81] : memref<204800x128xf32, #tpu.memory_space<hbm>> -> memref<204800x128xf32, #tpu.memory_space<hbm>>
    tpu.wait_indirect_dma semaphore(%arg9 : memref<!tpu.dma_semaphore, #tpu.memory_space<semaphore_mem>>) src(%dma_wait3A_82 : memref<204800x128xf32, #tpu.memory_space<hbm>>) dst(%dma_wait3A_76 : memref<128x128xf32, #tpu.memory_space<vmem>>)
    %mul3A_83 = arith.constant 512 : i32
    %mul3A_84 = arith.muli %add3A, %mul3A_83 : i32
    %add3A_85 = arith.constant 256 : i32
    %add3A_86 = arith.addi %mul3A_84, %add3A_85 : i32
    "tpu.region"() ({
      %run_scoped3A = tpu.sem_alloc : memref<!tpu.dma_semaphore, #tpu.memory_space<semaphore_mem>>
      %dma_start3A_87 = arith.constant 0 : i32
      %dma_start3A_88 = tpu.memref_slice %arg4[%add3A_86, %dma_start3A_87] : memref<16384x128xf32, #tpu.memory_space<hbm>> -> memref<256x128xf32, #tpu.memory_space<hbm>>
      %dma_start3A_89 = arith.constant 0 : i32
      %dma_start3A_90 = tpu.memref_slice %arg4[%add3A_86, %dma_start3A_89] : memref<16384x128xf32, #tpu.memory_space<hbm>> -> memref<256x128xf32, #tpu.memory_space<hbm>>
      tpu.enqueue_dma source(%arg7 : memref<256x128xf32, #tpu.memory_space<vmem>>) target(%dma_start3A_90 : memref<256x128xf32, #tpu.memory_space<hbm>>) target_semaphore(%run_scoped3A : memref<!tpu.dma_semaphore, #tpu.memory_space<semaphore_mem>>)
      %dma_wait3A_91 = arith.constant 0 : i32
      %dma_wait3A_92 = tpu.memref_slice %arg4[%add3A_86, %dma_wait3A_91] : memref<16384x128xf32, #tpu.memory_space<hbm>> -> memref<256x128xf32, #tpu.memory_space<hbm>>
      %dma_wait3A_93 = arith.constant 0 : i32
      %dma_wait3A_94 = tpu.memref_slice %arg4[%add3A_86, %dma_wait3A_93] : memref<16384x128xf32, #tpu.memory_space<hbm>> -> memref<256x128xf32, #tpu.memory_space<hbm>>
      tpu.wait_dma2 semaphore(%run_scoped3A : memref<!tpu.dma_semaphore, #tpu.memory_space<semaphore_mem>>) src(%arg7 : memref<256x128xf32, #tpu.memory_space<vmem>>) dst(%dma_wait3A_94 : memref<256x128xf32, #tpu.memory_space<hbm>>)
      tpu.yield
    }) : () -> ()
    return
  }
}

#map = affine_map<(d0, d1) -> (0, 0, 0)>
#map1 = affine_map<(d0, d1) -> (0, 0)>
module attributes {stable_mosaic.version = 14 : i64} {
  func.func @_sc_gather(%arg0: i32, %arg1: i32, %arg2: memref<32x4x128xi32, #tpu.memory_space<hbm>>, %arg3: memref<204800x128xf32, #tpu.memory_space<hbm>>, %arg4: memref<16384x128xf32, #tpu.memory_space<hbm>>, %arg5: memref<4x128xi32, #tpu.memory_space<vmem>>, %arg6: memref<256x128xf32, #tpu.memory_space<vmem>>, %arg7: memref<256x128xf32, #tpu.memory_space<vmem>>, %arg8: memref<!tpu.dma_semaphore, #tpu.memory_space<semaphore_mem>>, %arg9: memref<!tpu.dma_semaphore, #tpu.memory_space<semaphore_mem>>) attributes {dimension_semantics = [#tpu.dimension_semantics<core_parallel>, #tpu.dimension_semantics<subcore_parallel>], iteration_bounds = array<i64: 2, 16>, scalar_prefetch = 0 : i64, scratch_operands = 5 : i64, tpu.core_type = #tpu.core_type<sc_vector_subcore>, window_params = [{transform_indices = #map}, {transform_indices = #map1}, {transform_indices = #map1}]} {
    %mul3A = arith.constant 2 : i32
    %mul3A_0 = arith.muli %arg1, %mul3A : i32
    %add3A = arith.addi %mul3A_0, %arg0 : i32
    "tpu.region"() ({
      %run_scoped3A = tpu.sem_alloc : memref<!tpu.dma_semaphore, #tpu.memory_space<semaphore_mem>>
      %dma_start3A_87 = arith.constant 0 : i32
      %dma_start3A_88 = arith.constant 0 : i32
      %dma_start3A_89 = tpu.memref_slice %arg2[%add3A, %dma_start3A_87, %dma_start3A_88] : memref<32x4x128xi32, #tpu.memory_space<hbm>> -> memref<1x4x128xi32, #tpu.memory_space<hbm>>
      %dma_start3A_90 = tpu.memref_squeeze %dma_start3A_89 : memref<1x4x128xi32, #tpu.memory_space<hbm>> -> memref<4x128xi32, #tpu.memory_space<hbm>>
      %dma_start3A_91 = arith.constant 0 : i32
      %dma_start3A_92 = arith.constant 0 : i32
      %dma_start3A_93 = tpu.memref_slice %arg2[%add3A, %dma_start3A_91, %dma_start3A_92] : memref<32x4x128xi32, #tpu.memory_space<hbm>> -> memref<1x4x128xi32, #tpu.memory_space<hbm>>
      %dma_start3A_94 = tpu.memref_squeeze %dma_start3A_93 : memref<1x4x128xi32, #tpu.memory_space<hbm>> -> memref<4x128xi32, #tpu.memory_space<hbm>>
      tpu.enqueue_dma source(%dma_start3A_94 : memref<4x128xi32, #tpu.memory_space<hbm>>) target(%arg5 : memref<4x128xi32, #tpu.memory_space<vmem>>) target_semaphore(%run_scoped3A : memref<!tpu.dma_semaphore, #tpu.memory_space<semaphore_mem>>)
      %dma_wait3A_95 = arith.constant 0 : i32
      %dma_wait3A_96 = arith.constant 0 : i32
      %dma_wait3A_97 = tpu.memref_slice %arg2[%add3A, %dma_wait3A_95, %dma_wait3A_96] : memref<32x4x128xi32, #tpu.memory_space<hbm>> -> memref<1x4x128xi32, #tpu.memory_space<hbm>>
      %dma_wait3A_98 = tpu.memref_squeeze %dma_wait3A_97 : memref<1x4x128xi32, #tpu.memory_space<hbm>> -> memref<4x128xi32, #tpu.memory_space<hbm>>
      %dma_wait3A_99 = arith.constant 0 : i32
      %dma_wait3A_100 = arith.constant 0 : i32
      %dma_wait3A_101 = tpu.memref_slice %arg2[%add3A, %dma_wait3A_99, %dma_wait3A_100] : memref<32x4x128xi32, #tpu.memory_space<hbm>> -> memref<1x4x128xi32, #tpu.memory_space<hbm>>
      %dma_wait3A_102 = tpu.memref_squeeze %dma_wait3A_101 : memref<1x4x128xi32, #tpu.memory_space<hbm>> -> memref<4x128xi32, #tpu.memory_space<hbm>>
      tpu.wait_dma2 semaphore(%run_scoped3A : memref<!tpu.dma_semaphore, #tpu.memory_space<semaphore_mem>>) src(%dma_wait3A_102 : memref<4x128xi32, #tpu.memory_space<hbm>>) dst(%arg5 : memref<4x128xi32, #tpu.memory_space<vmem>>)
      tpu.yield
    }) : () -> ()
    %dma_start3A = arith.constant 0 : i32
    %dma_start3A_1 = arith.constant 0 : i32
    %dma_start3A_2 = arith.constant 0 : i32
    %dma_start3A_3 = tpu.memref_slice %arg6[%dma_start3A_1, %dma_start3A_2] : memref<256x128xf32, #tpu.memory_space<vmem>> -> memref<128x128xf32, #tpu.memory_space<vmem>>
    %dma_start3A_4 = arith.constant 0 : i32
    %dma_start3A_5 = tpu.memref_slice %arg5[%dma_start3A, %dma_start3A_4] : memref<4x128xi32, #tpu.memory_space<vmem>> -> memref<1x128xi32, #tpu.memory_space<vmem>>
    %dma_start3A_6 = tpu.memref_squeeze %dma_start3A_5 : memref<1x128xi32, #tpu.memory_space<vmem>> -> memref<128xi32, #tpu.memory_space<vmem>>
    %dma_start3A_7 = arith.constant 0 : i32
    %dma_start3A_8 = arith.constant 0 : i32
    %dma_start3A_9 = tpu.memref_slice %arg3[%dma_start3A_7, %dma_start3A_8] : memref<204800x128xf32, #tpu.memory_space<hbm>> -> memref<204800x128xf32, #tpu.memory_space<hbm>>
    tpu.enqueue_indirect_dma source(%dma_start3A_9 : memref<204800x128xf32, #tpu.memory_space<hbm>>) target(%dma_start3A_3 : memref<128x128xf32, #tpu.memory_space<vmem>>) offsets(%dma_start3A_6 : memref<128xi32, #tpu.memory_space<vmem>>) semaphore(%arg8 : memref<!tpu.dma_semaphore, #tpu.memory_space<semaphore_mem>>)
    %dma_start3A_10 = arith.constant 1 : i32
    %dma_start3A_11 = arith.constant 128 : i32
    %dma_start3A_12 = arith.constant 0 : i32
    %dma_start3A_13 = tpu.memref_slice %arg6[%dma_start3A_11, %dma_start3A_12] : memref<256x128xf32, #tpu.memory_space<vmem>> -> memref<128x128xf32, #tpu.memory_space<vmem>>
    %dma_start3A_14 = arith.constant 0 : i32
    %dma_start3A_15 = tpu.memref_slice %arg5[%dma_start3A_10, %dma_start3A_14] : memref<4x128xi32, #tpu.memory_space<vmem>> -> memref<1x128xi32, #tpu.memory_space<vmem>>
    %dma_start3A_16 = tpu.memref_squeeze %dma_start3A_15 : memref<1x128xi32, #tpu.memory_space<vmem>> -> memref<128xi32, #tpu.memory_space<vmem>>
    %dma_start3A_17 = arith.constant 0 : i32
    %dma_start3A_18 = arith.constant 0 : i32
    %dma_start3A_19 = tpu.memref_slice %arg3[%dma_start3A_17, %dma_start3A_18] : memref<204800x128xf32, #tpu.memory_space<hbm>> -> memref<204800x128xf32, #tpu.memory_space<hbm>>
    tpu.enqueue_indirect_dma source(%dma_start3A_19 : memref<204800x128xf32, #tpu.memory_space<hbm>>) target(%dma_start3A_13 : memref<128x128xf32, #tpu.memory_space<vmem>>) offsets(%dma_start3A_16 : memref<128xi32, #tpu.memory_space<vmem>>) semaphore(%arg8 : memref<!tpu.dma_semaphore, #tpu.memory_space<semaphore_mem>>)
    %dma_start3A_20 = arith.constant 2 : i32
    %dma_start3A_21 = arith.constant 0 : i32
    %dma_start3A_22 = arith.constant 0 : i32
    %dma_start3A_23 = tpu.memref_slice %arg7[%dma_start3A_21, %dma_start3A_22] : memref<256x128xf32, #tpu.memory_space<vmem>> -> memref<128x128xf32, #tpu.memory_space<vmem>>
    %dma_start3A_24 = arith.constant 0 : i32
    %dma_start3A_25 = tpu.memref_slice %arg5[%dma_start3A_20, %dma_start3A_24] : memref<4x128xi32, #tpu.memory_space<vmem>> -> memref<1x128xi32, #tpu.memory_space<vmem>>
    %dma_start3A_26 = tpu.memref_squeeze %dma_start3A_25 : memref<1x128xi32, #tpu.memory_space<vmem>> -> memref<128xi32, #tpu.memory_space<vmem>>
    %dma_start3A_27 = arith.constant 0 : i32
    %dma_start3A_28 = arith.constant 0 : i32
    %dma_start3A_29 = tpu.memref_slice %arg3[%dma_start3A_27, %dma_start3A_28] : memref<204800x128xf32, #tpu.memory_space<hbm>> -> memref<204800x128xf32, #tpu.memory_space<hbm>>
    tpu.enqueue_indirect_dma source(%dma_start3A_29 : memref<204800x128xf32, #tpu.memory_space<hbm>>) target(%dma_start3A_23 : memref<128x128xf32, #tpu.memory_space<vmem>>) offsets(%dma_start3A_26 : memref<128xi32, #tpu.memory_space<vmem>>) semaphore(%arg9 : memref<!tpu.dma_semaphore, #tpu.memory_space<semaphore_mem>>)
    %dma_start3A_30 = arith.constant 3 : i32
    %dma_start3A_31 = arith.constant 128 : i32
    %dma_start3A_32 = arith.constant 0 : i32
    %dma_start3A_33 = tpu.memref_slice %arg7[%dma_start3A_31, %dma_start3A_32] : memref<256x128xf32, #tpu.memory_space<vmem>> -> memref<128x128xf32, #tpu.memory_space<vmem>>
    %dma_start3A_34 = arith.constant 0 : i32
    %dma_start3A_35 = tpu.memref_slice %arg5[%dma_start3A_30, %dma_start3A_34] : memref<4x128xi32, #tpu.memory_space<vmem>> -> memref<1x128xi32, #tpu.memory_space<vmem>>
    %dma_start3A_36 = tpu.memref_squeeze %dma_start3A_35 : memref<1x128xi32, #tpu.memory_space<vmem>> -> memref<128xi32, #tpu.memory_space<vmem>>
    %dma_start3A_37 = arith.constant 0 : i32
    %dma_start3A_38 = arith.constant 0 : i32
    %dma_start3A_39 = tpu.memref_slice %arg3[%dma_start3A_37, %dma_start3A_38] : memref<204800x128xf32, #tpu.memory_space<hbm>> -> memref<204800x128xf32, #tpu.memory_space<hbm>>
    tpu.enqueue_indirect_dma source(%dma_start3A_39 : memref<204800x128xf32, #tpu.memory_space<hbm>>) target(%dma_start3A_33 : memref<128x128xf32, #tpu.memory_space<vmem>>) offsets(%dma_start3A_36 : memref<128xi32, #tpu.memory_space<vmem>>) semaphore(%arg9 : memref<!tpu.dma_semaphore, #tpu.memory_space<semaphore_mem>>)
    %dma_wait3A = arith.constant 0 : i32
    %dma_wait3A_40 = arith.constant 0 : i32
    %dma_wait3A_41 = arith.constant 0 : i32
    %dma_wait3A_42 = tpu.memref_slice %arg6[%dma_wait3A_40, %dma_wait3A_41] : memref<256x128xf32, #tpu.memory_space<vmem>> -> memref<128x128xf32, #tpu.memory_space<vmem>>
    %dma_wait3A_43 = arith.constant 0 : i32
    %dma_wait3A_44 = tpu.memref_slice %arg5[%dma_wait3A, %dma_wait3A_43] : memref<4x128xi32, #tpu.memory_space<vmem>> -> memref<1x128xi32, #tpu.memory_space<vmem>>
    %dma_wait3A_45 = tpu.memref_squeeze %dma_wait3A_44 : memref<1x128xi32, #tpu.memory_space<vmem>> -> memref<128xi32, #tpu.memory_space<vmem>>
    %dma_wait3A_46 = arith.constant 0 : i32
    %dma_wait3A_47 = arith.constant 0 : i32
    %dma_wait3A_48 = tpu.memref_slice %arg3[%dma_wait3A_46, %dma_wait3A_47] : memref<204800x128xf32, #tpu.memory_space<hbm>> -> memref<204800x128xf32, #tpu.memory_space<hbm>>
    tpu.wait_indirect_dma semaphore(%arg8 : memref<!tpu.dma_semaphore, #tpu.memory_space<semaphore_mem>>) src(%dma_wait3A_48 : memref<204800x128xf32, #tpu.memory_space<hbm>>) dst(%dma_wait3A_42 : memref<128x128xf32, #tpu.memory_space<vmem>>)
    %dma_wait3A_49 = arith.constant 1 : i32
    %dma_wait3A_50 = arith.constant 128 : i32
    %dma_wait3A_51 = arith.constant 0 : i32
    %dma_wait3A_52 = tpu.memref_slice %arg6[%dma_wait3A_50, %dma_wait3A_51] : memref<256x128xf32, #tpu.memory_space<vmem>> -> memref<128x128xf32, #tpu.memory_space<vmem>>
    %dma_wait3A_53 = arith.constant 0 : i32
    %dma_wait3A_54 = tpu.memref_slice %arg5[%dma_wait3A_49, %dma_wait3A_53] : memref<4x128xi32, #tpu.memory_space<vmem>> -> memref<1x128xi32, #tpu.memory_space<vmem>>
    %dma_wait3A_55 = tpu.memref_squeeze %dma_wait3A_54 : memref<1x128xi32, #tpu.memory_space<vmem>> -> memref<128xi32, #tpu.memory_space<vmem>>
    %dma_wait3A_56 = arith.constant 0 : i32
    %dma_wait3A_57 = arith.constant 0 : i32
    %dma_wait3A_58 = tpu.memref_slice %arg3[%dma_wait3A_56, %dma_wait3A_57] : memref<204800x128xf32, #tpu.memory_space<hbm>> -> memref<204800x128xf32, #tpu.memory_space<hbm>>
    tpu.wait_indirect_dma semaphore(%arg8 : memref<!tpu.dma_semaphore, #tpu.memory_space<semaphore_mem>>) src(%dma_wait3A_58 : memref<204800x128xf32, #tpu.memory_space<hbm>>) dst(%dma_wait3A_52 : memref<128x128xf32, #tpu.memory_space<vmem>>)
    %mul3A_59 = arith.constant 512 : i32
    %mul3A_60 = arith.muli %add3A, %mul3A_59 : i32
    %add3A_61 = arith.constant 0 : i32
    %add3A_62 = arith.addi %mul3A_60, %add3A_61 : i32
    "tpu.region"() ({
      %run_scoped3A = tpu.sem_alloc : memref<!tpu.dma_semaphore, #tpu.memory_space<semaphore_mem>>
      %dma_start3A_87 = arith.constant 0 : i32
      %dma_start3A_88 = tpu.memref_slice %arg4[%add3A_62, %dma_start3A_87] : memref<16384x128xf32, #tpu.memory_space<hbm>> -> memref<256x128xf32, #tpu.memory_space<hbm>>
      %dma_start3A_89 = arith.constant 0 : i32
      %dma_start3A_90 = tpu.memref_slice %arg4[%add3A_62, %dma_start3A_89] : memref<16384x128xf32, #tpu.memory_space<hbm>> -> memref<256x128xf32, #tpu.memory_space<hbm>>
      tpu.enqueue_dma source(%arg6 : memref<256x128xf32, #tpu.memory_space<vmem>>) target(%dma_start3A_90 : memref<256x128xf32, #tpu.memory_space<hbm>>) target_semaphore(%run_scoped3A : memref<!tpu.dma_semaphore, #tpu.memory_space<semaphore_mem>>)
      %dma_wait3A_91 = arith.constant 0 : i32
      %dma_wait3A_92 = tpu.memref_slice %arg4[%add3A_62, %dma_wait3A_91] : memref<16384x128xf32, #tpu.memory_space<hbm>> -> memref<256x128xf32, #tpu.memory_space<hbm>>
      %dma_wait3A_93 = arith.constant 0 : i32
      %dma_wait3A_94 = tpu.memref_slice %arg4[%add3A_62, %dma_wait3A_93] : memref<16384x128xf32, #tpu.memory_space<hbm>> -> memref<256x128xf32, #tpu.memory_space<hbm>>
      tpu.wait_dma2 semaphore(%run_scoped3A : memref<!tpu.dma_semaphore, #tpu.memory_space<semaphore_mem>>) src(%arg6 : memref<256x128xf32, #tpu.memory_space<vmem>>) dst(%dma_wait3A_94 : memref<256x128xf32, #tpu.memory_space<hbm>>)
      tpu.yield
    }) : () -> ()
    %dma_wait3A_63 = arith.constant 2 : i32
    %dma_wait3A_64 = arith.constant 0 : i32
    %dma_wait3A_65 = arith.constant 0 : i32
    %dma_wait3A_66 = tpu.memref_slice %arg7[%dma_wait3A_64, %dma_wait3A_65] : memref<256x128xf32, #tpu.memory_space<vmem>> -> memref<128x128xf32, #tpu.memory_space<vmem>>
    %dma_wait3A_67 = arith.constant 0 : i32
    %dma_wait3A_68 = tpu.memref_slice %arg5[%dma_wait3A_63, %dma_wait3A_67] : memref<4x128xi32, #tpu.memory_space<vmem>> -> memref<1x128xi32, #tpu.memory_space<vmem>>
    %dma_wait3A_69 = tpu.memref_squeeze %dma_wait3A_68 : memref<1x128xi32, #tpu.memory_space<vmem>> -> memref<128xi32, #tpu.memory_space<vmem>>
    %dma_wait3A_70 = arith.constant 0 : i32
    %dma_wait3A_71 = arith.constant 0 : i32
    %dma_wait3A_72 = tpu.memref_slice %arg3[%dma_wait3A_70, %dma_wait3A_71] : memref<204800x128xf32, #tpu.memory_space<hbm>> -> memref<204800x128xf32, #tpu.memory_space<hbm>>
    tpu.wait_indirect_dma semaphore(%arg9 : memref<!tpu.dma_semaphore, #tpu.memory_space<semaphore_mem>>) src(%dma_wait3A_72 : memref<204800x128xf32, #tpu.memory_space<hbm>>) dst(%dma_wait3A_66 : memref<128x128xf32, #tpu.memory_space<vmem>>)
    %dma_wait3A_73 = arith.constant 3 : i32
    %dma_wait3A_74 = arith.constant 128 : i32
    %dma_wait3A_75 = arith.constant 0 : i32
    %dma_wait3A_76 = tpu.memref_slice %arg7[%dma_wait3A_74, %dma_wait3A_75] : memref<256x128xf32, #tpu.memory_space<vmem>> -> memref<128x128xf32, #tpu.memory_space<vmem>>
    %dma_wait3A_77 = arith.constant 0 : i32
    %dma_wait3A_78 = tpu.memref_slice %arg5[%dma_wait3A_73, %dma_wait3A_77] : memref<4x128xi32, #tpu.memory_space<vmem>> -> memref<1x128xi32, #tpu.memory_space<vmem>>
    %dma_wait3A_79 = tpu.memref_squeeze %dma_wait3A_78 : memref<1x128xi32, #tpu.memory_space<vmem>> -> memref<128xi32, #tpu.memory_space<vmem>>
    %dma_wait3A_80 = arith.constant 0 : i32
    %dma_wait3A_81 = arith.constant 0 : i32
    %dma_wait3A_82 = tpu.memref_slice %arg3[%dma_wait3A_80, %dma_wait3A_81] : memref<204800x128xf32, #tpu.memory_space<hbm>> -> memref<204800x128xf32, #tpu.memory_space<hbm>>
    tpu.wait_indirect_dma semaphore(%arg9 : memref<!tpu.dma_semaphore, #tpu.memory_space<semaphore_mem>>) src(%dma_wait3A_82 : memref<204800x128xf32, #tpu.memory_space<hbm>>) dst(%dma_wait3A_76 : memref<128x128xf32, #tpu.memory_space<vmem>>)
    %mul3A_83 = arith.constant 512 : i32
    %mul3A_84 = arith.muli %add3A, %mul3A_83 : i32
    %add3A_85 = arith.constant 256 : i32
    %add3A_86 = arith.addi %mul3A_84, %add3A_85 : i32
    "tpu.region"() ({
      %run_scoped3A = tpu.sem_alloc : memref<!tpu.dma_semaphore, #tpu.memory_space<semaphore_mem>>
      %dma_start3A_87 = arith.constant 0 : i32
      %dma_start3A_88 = tpu.memref_slice %arg4[%add3A_86, %dma_start3A_87] : memref<16384x128xf32, #tpu.memory_space<hbm>> -> memref<256x128xf32, #tpu.memory_space<hbm>>
      %dma_start3A_89 = arith.constant 0 : i32
      %dma_start3A_90 = tpu.memref_slice %arg4[%add3A_86, %dma_start3A_89] : memref<16384x128xf32, #tpu.memory_space<hbm>> -> memref<256x128xf32, #tpu.memory_space<hbm>>
      tpu.enqueue_dma source(%arg7 : memref<256x128xf32, #tpu.memory_space<vmem>>) target(%dma_start3A_90 : memref<256x128xf32, #tpu.memory_space<hbm>>) target_semaphore(%run_scoped3A : memref<!tpu.dma_semaphore, #tpu.memory_space<semaphore_mem>>)
      %dma_wait3A_91 = arith.constant 0 : i32
      %dma_wait3A_92 = tpu.memref_slice %arg4[%add3A_86, %dma_wait3A_91] : memref<16384x128xf32, #tpu.memory_space<hbm>> -> memref<256x128xf32, #tpu.memory_space<hbm>>
      %dma_wait3A_93 = arith.constant 0 : i32
      %dma_wait3A_94 = tpu.memref_slice %arg4[%add3A_86, %dma_wait3A_93] : memref<16384x128xf32, #tpu.memory_space<hbm>> -> memref<256x128xf32, #tpu.memory_space<hbm>>
      tpu.wait_dma2 semaphore(%run_scoped3A : memref<!tpu.dma_semaphore, #tpu.memory_space<semaphore_mem>>) src(%arg7 : memref<256x128xf32, #tpu.memory_space<vmem>>) dst(%dma_wait3A_94 : memref<256x128xf32, #tpu.memory_space<hbm>>)
      tpu.yield
    }) : () -> ()
    return
  }
}

#map = affine_map<(d0, d1) -> (0, 0, 0)>
#map1 = affine_map<(d0, d1) -> (0, 0)>
module attributes {stable_mosaic.version = 14 : i64} {
  func.func @_sc_gather(%arg0: i32, %arg1: i32, %arg2: memref<32x4x128xi32, #tpu.memory_space<hbm>>, %arg3: memref<204800x128xf32, #tpu.memory_space<hbm>>, %arg4: memref<16384x128xf32, #tpu.memory_space<hbm>>, %arg5: memref<4x128xi32, #tpu.memory_space<vmem>>, %arg6: memref<256x128xf32, #tpu.memory_space<vmem>>, %arg7: memref<256x128xf32, #tpu.memory_space<vmem>>, %arg8: memref<!tpu.dma_semaphore, #tpu.memory_space<semaphore_mem>>, %arg9: memref<!tpu.dma_semaphore, #tpu.memory_space<semaphore_mem>>) attributes {dimension_semantics = [#tpu.dimension_semantics<core_parallel>, #tpu.dimension_semantics<subcore_parallel>], iteration_bounds = array<i64: 2, 16>, scalar_prefetch = 0 : i64, scratch_operands = 5 : i64, tpu.core_type = #tpu.core_type<sc_vector_subcore>, window_params = [{transform_indices = #map}, {transform_indices = #map1}, {transform_indices = #map1}]} {
    %mul3A = arith.constant 2 : i32
    %mul3A_0 = arith.muli %arg1, %mul3A : i32
    %add3A = arith.addi %mul3A_0, %arg0 : i32
    "tpu.region"() ({
      %run_scoped3A = tpu.sem_alloc : memref<!tpu.dma_semaphore, #tpu.memory_space<semaphore_mem>>
      %dma_start3A_87 = arith.constant 0 : i32
      %dma_start3A_88 = arith.constant 0 : i32
      %dma_start3A_89 = tpu.memref_slice %arg2[%add3A, %dma_start3A_87, %dma_start3A_88] : memref<32x4x128xi32, #tpu.memory_space<hbm>> -> memref<1x4x128xi32, #tpu.memory_space<hbm>>
      %dma_start3A_90 = tpu.memref_squeeze %dma_start3A_89 : memref<1x4x128xi32, #tpu.memory_space<hbm>> -> memref<4x128xi32, #tpu.memory_space<hbm>>
      %dma_start3A_91 = arith.constant 0 : i32
      %dma_start3A_92 = arith.constant 0 : i32
      %dma_start3A_93 = tpu.memref_slice %arg2[%add3A, %dma_start3A_91, %dma_start3A_92] : memref<32x4x128xi32, #tpu.memory_space<hbm>> -> memref<1x4x128xi32, #tpu.memory_space<hbm>>
      %dma_start3A_94 = tpu.memref_squeeze %dma_start3A_93 : memref<1x4x128xi32, #tpu.memory_space<hbm>> -> memref<4x128xi32, #tpu.memory_space<hbm>>
      tpu.enqueue_dma source(%dma_start3A_94 : memref<4x128xi32, #tpu.memory_space<hbm>>) target(%arg5 : memref<4x128xi32, #tpu.memory_space<vmem>>) target_semaphore(%run_scoped3A : memref<!tpu.dma_semaphore, #tpu.memory_space<semaphore_mem>>)
      %dma_wait3A_95 = arith.constant 0 : i32
      %dma_wait3A_96 = arith.constant 0 : i32
      %dma_wait3A_97 = tpu.memref_slice %arg2[%add3A, %dma_wait3A_95, %dma_wait3A_96] : memref<32x4x128xi32, #tpu.memory_space<hbm>> -> memref<1x4x128xi32, #tpu.memory_space<hbm>>
      %dma_wait3A_98 = tpu.memref_squeeze %dma_wait3A_97 : memref<1x4x128xi32, #tpu.memory_space<hbm>> -> memref<4x128xi32, #tpu.memory_space<hbm>>
      %dma_wait3A_99 = arith.constant 0 : i32
      %dma_wait3A_100 = arith.constant 0 : i32
      %dma_wait3A_101 = tpu.memref_slice %arg2[%add3A, %dma_wait3A_99, %dma_wait3A_100] : memref<32x4x128xi32, #tpu.memory_space<hbm>> -> memref<1x4x128xi32, #tpu.memory_space<hbm>>
      %dma_wait3A_102 = tpu.memref_squeeze %dma_wait3A_101 : memref<1x4x128xi32, #tpu.memory_space<hbm>> -> memref<4x128xi32, #tpu.memory_space<hbm>>
      tpu.wait_dma2 semaphore(%run_scoped3A : memref<!tpu.dma_semaphore, #tpu.memory_space<semaphore_mem>>) src(%dma_wait3A_102 : memref<4x128xi32, #tpu.memory_space<hbm>>) dst(%arg5 : memref<4x128xi32, #tpu.memory_space<vmem>>)
      tpu.yield
    }) : () -> ()
    %dma_start3A = arith.constant 0 : i32
    %dma_start3A_1 = arith.constant 0 : i32
    %dma_start3A_2 = arith.constant 0 : i32
    %dma_start3A_3 = tpu.memref_slice %arg6[%dma_start3A_1, %dma_start3A_2] : memref<256x128xf32, #tpu.memory_space<vmem>> -> memref<128x128xf32, #tpu.memory_space<vmem>>
    %dma_start3A_4 = arith.constant 0 : i32
    %dma_start3A_5 = tpu.memref_slice %arg5[%dma_start3A, %dma_start3A_4] : memref<4x128xi32, #tpu.memory_space<vmem>> -> memref<1x128xi32, #tpu.memory_space<vmem>>
    %dma_start3A_6 = tpu.memref_squeeze %dma_start3A_5 : memref<1x128xi32, #tpu.memory_space<vmem>> -> memref<128xi32, #tpu.memory_space<vmem>>
    %dma_start3A_7 = arith.constant 0 : i32
    %dma_start3A_8 = arith.constant 0 : i32
    %dma_start3A_9 = tpu.memref_slice %arg3[%dma_start3A_7, %dma_start3A_8] : memref<204800x128xf32, #tpu.memory_space<hbm>> -> memref<204800x128xf32, #tpu.memory_space<hbm>>
    tpu.enqueue_indirect_dma source(%dma_start3A_9 : memref<204800x128xf32, #tpu.memory_space<hbm>>) target(%dma_start3A_3 : memref<128x128xf32, #tpu.memory_space<vmem>>) offsets(%dma_start3A_6 : memref<128xi32, #tpu.memory_space<vmem>>) semaphore(%arg8 : memref<!tpu.dma_semaphore, #tpu.memory_space<semaphore_mem>>)
    %dma_start3A_10 = arith.constant 1 : i32
    %dma_start3A_11 = arith.constant 128 : i32
    %dma_start3A_12 = arith.constant 0 : i32
    %dma_start3A_13 = tpu.memref_slice %arg6[%dma_start3A_11, %dma_start3A_12] : memref<256x128xf32, #tpu.memory_space<vmem>> -> memref<128x128xf32, #tpu.memory_space<vmem>>
    %dma_start3A_14 = arith.constant 0 : i32
    %dma_start3A_15 = tpu.memref_slice %arg5[%dma_start3A_10, %dma_start3A_14] : memref<4x128xi32, #tpu.memory_space<vmem>> -> memref<1x128xi32, #tpu.memory_space<vmem>>
    %dma_start3A_16 = tpu.memref_squeeze %dma_start3A_15 : memref<1x128xi32, #tpu.memory_space<vmem>> -> memref<128xi32, #tpu.memory_space<vmem>>
    %dma_start3A_17 = arith.constant 0 : i32
    %dma_start3A_18 = arith.constant 0 : i32
    %dma_start3A_19 = tpu.memref_slice %arg3[%dma_start3A_17, %dma_start3A_18] : memref<204800x128xf32, #tpu.memory_space<hbm>> -> memref<204800x128xf32, #tpu.memory_space<hbm>>
    tpu.enqueue_indirect_dma source(%dma_start3A_19 : memref<204800x128xf32, #tpu.memory_space<hbm>>) target(%dma_start3A_13 : memref<128x128xf32, #tpu.memory_space<vmem>>) offsets(%dma_start3A_16 : memref<128xi32, #tpu.memory_space<vmem>>) semaphore(%arg8 : memref<!tpu.dma_semaphore, #tpu.memory_space<semaphore_mem>>)
    %dma_start3A_20 = arith.constant 2 : i32
    %dma_start3A_21 = arith.constant 0 : i32
    %dma_start3A_22 = arith.constant 0 : i32
    %dma_start3A_23 = tpu.memref_slice %arg7[%dma_start3A_21, %dma_start3A_22] : memref<256x128xf32, #tpu.memory_space<vmem>> -> memref<128x128xf32, #tpu.memory_space<vmem>>
    %dma_start3A_24 = arith.constant 0 : i32
    %dma_start3A_25 = tpu.memref_slice %arg5[%dma_start3A_20, %dma_start3A_24] : memref<4x128xi32, #tpu.memory_space<vmem>> -> memref<1x128xi32, #tpu.memory_space<vmem>>
    %dma_start3A_26 = tpu.memref_squeeze %dma_start3A_25 : memref<1x128xi32, #tpu.memory_space<vmem>> -> memref<128xi32, #tpu.memory_space<vmem>>
    %dma_start3A_27 = arith.constant 0 : i32
    %dma_start3A_28 = arith.constant 0 : i32
    %dma_start3A_29 = tpu.memref_slice %arg3[%dma_start3A_27, %dma_start3A_28] : memref<204800x128xf32, #tpu.memory_space<hbm>> -> memref<204800x128xf32, #tpu.memory_space<hbm>>
    tpu.enqueue_indirect_dma source(%dma_start3A_29 : memref<204800x128xf32, #tpu.memory_space<hbm>>) target(%dma_start3A_23 : memref<128x128xf32, #tpu.memory_space<vmem>>) offsets(%dma_start3A_26 : memref<128xi32, #tpu.memory_space<vmem>>) semaphore(%arg9 : memref<!tpu.dma_semaphore, #tpu.memory_space<semaphore_mem>>)
    %dma_start3A_30 = arith.constant 3 : i32
    %dma_start3A_31 = arith.constant 128 : i32
    %dma_start3A_32 = arith.constant 0 : i32
    %dma_start3A_33 = tpu.memref_slice %arg7[%dma_start3A_31, %dma_start3A_32] : memref<256x128xf32, #tpu.memory_space<vmem>> -> memref<128x128xf32, #tpu.memory_space<vmem>>
    %dma_start3A_34 = arith.constant 0 : i32
    %dma_start3A_35 = tpu.memref_slice %arg5[%dma_start3A_30, %dma_start3A_34] : memref<4x128xi32, #tpu.memory_space<vmem>> -> memref<1x128xi32, #tpu.memory_space<vmem>>
    %dma_start3A_36 = tpu.memref_squeeze %dma_start3A_35 : memref<1x128xi32, #tpu.memory_space<vmem>> -> memref<128xi32, #tpu.memory_space<vmem>>
    %dma_start3A_37 = arith.constant 0 : i32
    %dma_start3A_38 = arith.constant 0 : i32
    %dma_start3A_39 = tpu.memref_slice %arg3[%dma_start3A_37, %dma_start3A_38] : memref<204800x128xf32, #tpu.memory_space<hbm>> -> memref<204800x128xf32, #tpu.memory_space<hbm>>
    tpu.enqueue_indirect_dma source(%dma_start3A_39 : memref<204800x128xf32, #tpu.memory_space<hbm>>) target(%dma_start3A_33 : memref<128x128xf32, #tpu.memory_space<vmem>>) offsets(%dma_start3A_36 : memref<128xi32, #tpu.memory_space<vmem>>) semaphore(%arg9 : memref<!tpu.dma_semaphore, #tpu.memory_space<semaphore_mem>>)
    %dma_wait3A = arith.constant 0 : i32
    %dma_wait3A_40 = arith.constant 0 : i32
    %dma_wait3A_41 = arith.constant 0 : i32
    %dma_wait3A_42 = tpu.memref_slice %arg6[%dma_wait3A_40, %dma_wait3A_41] : memref<256x128xf32, #tpu.memory_space<vmem>> -> memref<128x128xf32, #tpu.memory_space<vmem>>
    %dma_wait3A_43 = arith.constant 0 : i32
    %dma_wait3A_44 = tpu.memref_slice %arg5[%dma_wait3A, %dma_wait3A_43] : memref<4x128xi32, #tpu.memory_space<vmem>> -> memref<1x128xi32, #tpu.memory_space<vmem>>
    %dma_wait3A_45 = tpu.memref_squeeze %dma_wait3A_44 : memref<1x128xi32, #tpu.memory_space<vmem>> -> memref<128xi32, #tpu.memory_space<vmem>>
    %dma_wait3A_46 = arith.constant 0 : i32
    %dma_wait3A_47 = arith.constant 0 : i32
    %dma_wait3A_48 = tpu.memref_slice %arg3[%dma_wait3A_46, %dma_wait3A_47] : memref<204800x128xf32, #tpu.memory_space<hbm>> -> memref<204800x128xf32, #tpu.memory_space<hbm>>
    tpu.wait_indirect_dma semaphore(%arg8 : memref<!tpu.dma_semaphore, #tpu.memory_space<semaphore_mem>>) src(%dma_wait3A_48 : memref<204800x128xf32, #tpu.memory_space<hbm>>) dst(%dma_wait3A_42 : memref<128x128xf32, #tpu.memory_space<vmem>>)
    %dma_wait3A_49 = arith.constant 1 : i32
    %dma_wait3A_50 = arith.constant 128 : i32
    %dma_wait3A_51 = arith.constant 0 : i32
    %dma_wait3A_52 = tpu.memref_slice %arg6[%dma_wait3A_50, %dma_wait3A_51] : memref<256x128xf32, #tpu.memory_space<vmem>> -> memref<128x128xf32, #tpu.memory_space<vmem>>
    %dma_wait3A_53 = arith.constant 0 : i32
    %dma_wait3A_54 = tpu.memref_slice %arg5[%dma_wait3A_49, %dma_wait3A_53] : memref<4x128xi32, #tpu.memory_space<vmem>> -> memref<1x128xi32, #tpu.memory_space<vmem>>
    %dma_wait3A_55 = tpu.memref_squeeze %dma_wait3A_54 : memref<1x128xi32, #tpu.memory_space<vmem>> -> memref<128xi32, #tpu.memory_space<vmem>>
    %dma_wait3A_56 = arith.constant 0 : i32
    %dma_wait3A_57 = arith.constant 0 : i32
    %dma_wait3A_58 = tpu.memref_slice %arg3[%dma_wait3A_56, %dma_wait3A_57] : memref<204800x128xf32, #tpu.memory_space<hbm>> -> memref<204800x128xf32, #tpu.memory_space<hbm>>
    tpu.wait_indirect_dma semaphore(%arg8 : memref<!tpu.dma_semaphore, #tpu.memory_space<semaphore_mem>>) src(%dma_wait3A_58 : memref<204800x128xf32, #tpu.memory_space<hbm>>) dst(%dma_wait3A_52 : memref<128x128xf32, #tpu.memory_space<vmem>>)
    %mul3A_59 = arith.constant 512 : i32
    %mul3A_60 = arith.muli %add3A, %mul3A_59 : i32
    %add3A_61 = arith.constant 0 : i32
    %add3A_62 = arith.addi %mul3A_60, %add3A_61 : i32
    "tpu.region"() ({
      %run_scoped3A = tpu.sem_alloc : memref<!tpu.dma_semaphore, #tpu.memory_space<semaphore_mem>>
      %dma_start3A_87 = arith.constant 0 : i32
      %dma_start3A_88 = tpu.memref_slice %arg4[%add3A_62, %dma_start3A_87] : memref<16384x128xf32, #tpu.memory_space<hbm>> -> memref<256x128xf32, #tpu.memory_space<hbm>>
      %dma_start3A_89 = arith.constant 0 : i32
      %dma_start3A_90 = tpu.memref_slice %arg4[%add3A_62, %dma_start3A_89] : memref<16384x128xf32, #tpu.memory_space<hbm>> -> memref<256x128xf32, #tpu.memory_space<hbm>>
      tpu.enqueue_dma source(%arg6 : memref<256x128xf32, #tpu.memory_space<vmem>>) target(%dma_start3A_90 : memref<256x128xf32, #tpu.memory_space<hbm>>) target_semaphore(%run_scoped3A : memref<!tpu.dma_semaphore, #tpu.memory_space<semaphore_mem>>)
      %dma_wait3A_91 = arith.constant 0 : i32
      %dma_wait3A_92 = tpu.memref_slice %arg4[%add3A_62, %dma_wait3A_91] : memref<16384x128xf32, #tpu.memory_space<hbm>> -> memref<256x128xf32, #tpu.memory_space<hbm>>
      %dma_wait3A_93 = arith.constant 0 : i32
      %dma_wait3A_94 = tpu.memref_slice %arg4[%add3A_62, %dma_wait3A_93] : memref<16384x128xf32, #tpu.memory_space<hbm>> -> memref<256x128xf32, #tpu.memory_space<hbm>>
      tpu.wait_dma2 semaphore(%run_scoped3A : memref<!tpu.dma_semaphore, #tpu.memory_space<semaphore_mem>>) src(%arg6 : memref<256x128xf32, #tpu.memory_space<vmem>>) dst(%dma_wait3A_94 : memref<256x128xf32, #tpu.memory_space<hbm>>)
      tpu.yield
    }) : () -> ()
    %dma_wait3A_63 = arith.constant 2 : i32
    %dma_wait3A_64 = arith.constant 0 : i32
    %dma_wait3A_65 = arith.constant 0 : i32
    %dma_wait3A_66 = tpu.memref_slice %arg7[%dma_wait3A_64, %dma_wait3A_65] : memref<256x128xf32, #tpu.memory_space<vmem>> -> memref<128x128xf32, #tpu.memory_space<vmem>>
    %dma_wait3A_67 = arith.constant 0 : i32
    %dma_wait3A_68 = tpu.memref_slice %arg5[%dma_wait3A_63, %dma_wait3A_67] : memref<4x128xi32, #tpu.memory_space<vmem>> -> memref<1x128xi32, #tpu.memory_space<vmem>>
    %dma_wait3A_69 = tpu.memref_squeeze %dma_wait3A_68 : memref<1x128xi32, #tpu.memory_space<vmem>> -> memref<128xi32, #tpu.memory_space<vmem>>
    %dma_wait3A_70 = arith.constant 0 : i32
    %dma_wait3A_71 = arith.constant 0 : i32
    %dma_wait3A_72 = tpu.memref_slice %arg3[%dma_wait3A_70, %dma_wait3A_71] : memref<204800x128xf32, #tpu.memory_space<hbm>> -> memref<204800x128xf32, #tpu.memory_space<hbm>>
    tpu.wait_indirect_dma semaphore(%arg9 : memref<!tpu.dma_semaphore, #tpu.memory_space<semaphore_mem>>) src(%dma_wait3A_72 : memref<204800x128xf32, #tpu.memory_space<hbm>>) dst(%dma_wait3A_66 : memref<128x128xf32, #tpu.memory_space<vmem>>)
    %dma_wait3A_73 = arith.constant 3 : i32
    %dma_wait3A_74 = arith.constant 128 : i32
    %dma_wait3A_75 = arith.constant 0 : i32
    %dma_wait3A_76 = tpu.memref_slice %arg7[%dma_wait3A_74, %dma_wait3A_75] : memref<256x128xf32, #tpu.memory_space<vmem>> -> memref<128x128xf32, #tpu.memory_space<vmem>>
    %dma_wait3A_77 = arith.constant 0 : i32
    %dma_wait3A_78 = tpu.memref_slice %arg5[%dma_wait3A_73, %dma_wait3A_77] : memref<4x128xi32, #tpu.memory_space<vmem>> -> memref<1x128xi32, #tpu.memory_space<vmem>>
    %dma_wait3A_79 = tpu.memref_squeeze %dma_wait3A_78 : memref<1x128xi32, #tpu.memory_space<vmem>> -> memref<128xi32, #tpu.memory_space<vmem>>
    %dma_wait3A_80 = arith.constant 0 : i32
    %dma_wait3A_81 = arith.constant 0 : i32
    %dma_wait3A_82 = tpu.memref_slice %arg3[%dma_wait3A_80, %dma_wait3A_81] : memref<204800x128xf32, #tpu.memory_space<hbm>> -> memref<204800x128xf32, #tpu.memory_space<hbm>>
    tpu.wait_indirect_dma semaphore(%arg9 : memref<!tpu.dma_semaphore, #tpu.memory_space<semaphore_mem>>) src(%dma_wait3A_82 : memref<204800x128xf32, #tpu.memory_space<hbm>>) dst(%dma_wait3A_76 : memref<128x128xf32, #tpu.memory_space<vmem>>)
    %mul3A_83 = arith.constant 512 : i32
    %mul3A_84 = arith.muli %add3A, %mul3A_83 : i32
    %add3A_85 = arith.constant 256 : i32
    %add3A_86 = arith.addi %mul3A_84, %add3A_85 : i32
    "tpu.region"() ({
      %run_scoped3A = tpu.sem_alloc : memref<!tpu.dma_semaphore, #tpu.memory_space<semaphore_mem>>
      %dma_start3A_87 = arith.constant 0 : i32
      %dma_start3A_88 = tpu.memref_slice %arg4[%add3A_86, %dma_start3A_87] : memref<16384x128xf32, #tpu.memory_space<hbm>> -> memref<256x128xf32, #tpu.memory_space<hbm>>
      %dma_start3A_89 = arith.constant 0 : i32
      %dma_start3A_90 = tpu.memref_slice %arg4[%add3A_86, %dma_start3A_89] : memref<16384x128xf32, #tpu.memory_space<hbm>> -> memref<256x128xf32, #tpu.memory_space<hbm>>
      tpu.enqueue_dma source(%arg7 : memref<256x128xf32, #tpu.memory_space<vmem>>) target(%dma_start3A_90 : memref<256x128xf32, #tpu.memory_space<hbm>>) target_semaphore(%run_scoped3A : memref<!tpu.dma_semaphore, #tpu.memory_space<semaphore_mem>>)
      %dma_wait3A_91 = arith.constant 0 : i32
      %dma_wait3A_92 = tpu.memref_slice %arg4[%add3A_86, %dma_wait3A_91] : memref<16384x128xf32, #tpu.memory_space<hbm>> -> memref<256x128xf32, #tpu.memory_space<hbm>>
      %dma_wait3A_93 = arith.constant 0 : i32
      %dma_wait3A_94 = tpu.memref_slice %arg4[%add3A_86, %dma_wait3A_93] : memref<16384x128xf32, #tpu.memory_space<hbm>> -> memref<256x128xf32, #tpu.memory_space<hbm>>
      tpu.wait_dma2 semaphore(%run_scoped3A : memref<!tpu.dma_semaphore, #tpu.memory_space<semaphore_mem>>) src(%arg7 : memref<256x128xf32, #tpu.memory_space<vmem>>) dst(%dma_wait3A_94 : memref<256x128xf32, #tpu.memory_space<hbm>>)
      tpu.yield
    }) : () -> ()
    return
  }
}

#map = affine_map<(d0, d1) -> (0, 0, 0)>
#map1 = affine_map<(d0, d1) -> (0, 0)>
module attributes {stable_mosaic.version = 14 : i64} {
  func.func @_sc_gather(%arg0: i32, %arg1: i32, %arg2: memref<32x4x128xi32, #tpu.memory_space<hbm>>, %arg3: memref<204800x128xf32, #tpu.memory_space<hbm>>, %arg4: memref<16384x128xf32, #tpu.memory_space<hbm>>, %arg5: memref<4x128xi32, #tpu.memory_space<vmem>>, %arg6: memref<256x128xf32, #tpu.memory_space<vmem>>, %arg7: memref<256x128xf32, #tpu.memory_space<vmem>>, %arg8: memref<!tpu.dma_semaphore, #tpu.memory_space<semaphore_mem>>, %arg9: memref<!tpu.dma_semaphore, #tpu.memory_space<semaphore_mem>>) attributes {dimension_semantics = [#tpu.dimension_semantics<core_parallel>, #tpu.dimension_semantics<subcore_parallel>], iteration_bounds = array<i64: 2, 16>, scalar_prefetch = 0 : i64, scratch_operands = 5 : i64, tpu.core_type = #tpu.core_type<sc_vector_subcore>, window_params = [{transform_indices = #map}, {transform_indices = #map1}, {transform_indices = #map1}]} {
    %mul3A = arith.constant 2 : i32
    %mul3A_0 = arith.muli %arg1, %mul3A : i32
    %add3A = arith.addi %mul3A_0, %arg0 : i32
    "tpu.region"() ({
      %run_scoped3A = tpu.sem_alloc : memref<!tpu.dma_semaphore, #tpu.memory_space<semaphore_mem>>
      %dma_start3A_87 = arith.constant 0 : i32
      %dma_start3A_88 = arith.constant 0 : i32
      %dma_start3A_89 = tpu.memref_slice %arg2[%add3A, %dma_start3A_87, %dma_start3A_88] : memref<32x4x128xi32, #tpu.memory_space<hbm>> -> memref<1x4x128xi32, #tpu.memory_space<hbm>>
      %dma_start3A_90 = tpu.memref_squeeze %dma_start3A_89 : memref<1x4x128xi32, #tpu.memory_space<hbm>> -> memref<4x128xi32, #tpu.memory_space<hbm>>
      %dma_start3A_91 = arith.constant 0 : i32
      %dma_start3A_92 = arith.constant 0 : i32
      %dma_start3A_93 = tpu.memref_slice %arg2[%add3A, %dma_start3A_91, %dma_start3A_92] : memref<32x4x128xi32, #tpu.memory_space<hbm>> -> memref<1x4x128xi32, #tpu.memory_space<hbm>>
      %dma_start3A_94 = tpu.memref_squeeze %dma_start3A_93 : memref<1x4x128xi32, #tpu.memory_space<hbm>> -> memref<4x128xi32, #tpu.memory_space<hbm>>
      tpu.enqueue_dma source(%dma_start3A_94 : memref<4x128xi32, #tpu.memory_space<hbm>>) target(%arg5 : memref<4x128xi32, #tpu.memory_space<vmem>>) target_semaphore(%run_scoped3A : memref<!tpu.dma_semaphore, #tpu.memory_space<semaphore_mem>>)
      %dma_wait3A_95 = arith.constant 0 : i32
      %dma_wait3A_96 = arith.constant 0 : i32
      %dma_wait3A_97 = tpu.memref_slice %arg2[%add3A, %dma_wait3A_95, %dma_wait3A_96] : memref<32x4x128xi32, #tpu.memory_space<hbm>> -> memref<1x4x128xi32, #tpu.memory_space<hbm>>
      %dma_wait3A_98 = tpu.memref_squeeze %dma_wait3A_97 : memref<1x4x128xi32, #tpu.memory_space<hbm>> -> memref<4x128xi32, #tpu.memory_space<hbm>>
      %dma_wait3A_99 = arith.constant 0 : i32
      %dma_wait3A_100 = arith.constant 0 : i32
      %dma_wait3A_101 = tpu.memref_slice %arg2[%add3A, %dma_wait3A_99, %dma_wait3A_100] : memref<32x4x128xi32, #tpu.memory_space<hbm>> -> memref<1x4x128xi32, #tpu.memory_space<hbm>>
      %dma_wait3A_102 = tpu.memref_squeeze %dma_wait3A_101 : memref<1x4x128xi32, #tpu.memory_space<hbm>> -> memref<4x128xi32, #tpu.memory_space<hbm>>
      tpu.wait_dma2 semaphore(%run_scoped3A : memref<!tpu.dma_semaphore, #tpu.memory_space<semaphore_mem>>) src(%dma_wait3A_102 : memref<4x128xi32, #tpu.memory_space<hbm>>) dst(%arg5 : memref<4x128xi32, #tpu.memory_space<vmem>>)
      tpu.yield
    }) : () -> ()
    %dma_start3A = arith.constant 0 : i32
    %dma_start3A_1 = arith.constant 0 : i32
    %dma_start3A_2 = arith.constant 0 : i32
    %dma_start3A_3 = tpu.memref_slice %arg6[%dma_start3A_1, %dma_start3A_2] : memref<256x128xf32, #tpu.memory_space<vmem>> -> memref<128x128xf32, #tpu.memory_space<vmem>>
    %dma_start3A_4 = arith.constant 0 : i32
    %dma_start3A_5 = tpu.memref_slice %arg5[%dma_start3A, %dma_start3A_4] : memref<4x128xi32, #tpu.memory_space<vmem>> -> memref<1x128xi32, #tpu.memory_space<vmem>>
    %dma_start3A_6 = tpu.memref_squeeze %dma_start3A_5 : memref<1x128xi32, #tpu.memory_space<vmem>> -> memref<128xi32, #tpu.memory_space<vmem>>
    %dma_start3A_7 = arith.constant 0 : i32
    %dma_start3A_8 = arith.constant 0 : i32
    %dma_start3A_9 = tpu.memref_slice %arg3[%dma_start3A_7, %dma_start3A_8] : memref<204800x128xf32, #tpu.memory_space<hbm>> -> memref<204800x128xf32, #tpu.memory_space<hbm>>
    tpu.enqueue_indirect_dma source(%dma_start3A_9 : memref<204800x128xf32, #tpu.memory_space<hbm>>) target(%dma_start3A_3 : memref<128x128xf32, #tpu.memory_space<vmem>>) offsets(%dma_start3A_6 : memref<128xi32, #tpu.memory_space<vmem>>) semaphore(%arg8 : memref<!tpu.dma_semaphore, #tpu.memory_space<semaphore_mem>>)
    %dma_start3A_10 = arith.constant 1 : i32
    %dma_start3A_11 = arith.constant 128 : i32
    %dma_start3A_12 = arith.constant 0 : i32
    %dma_start3A_13 = tpu.memref_slice %arg6[%dma_start3A_11, %dma_start3A_12] : memref<256x128xf32, #tpu.memory_space<vmem>> -> memref<128x128xf32, #tpu.memory_space<vmem>>
    %dma_start3A_14 = arith.constant 0 : i32
    %dma_start3A_15 = tpu.memref_slice %arg5[%dma_start3A_10, %dma_start3A_14] : memref<4x128xi32, #tpu.memory_space<vmem>> -> memref<1x128xi32, #tpu.memory_space<vmem>>
    %dma_start3A_16 = tpu.memref_squeeze %dma_start3A_15 : memref<1x128xi32, #tpu.memory_space<vmem>> -> memref<128xi32, #tpu.memory_space<vmem>>
    %dma_start3A_17 = arith.constant 0 : i32
    %dma_start3A_18 = arith.constant 0 : i32
    %dma_start3A_19 = tpu.memref_slice %arg3[%dma_start3A_17, %dma_start3A_18] : memref<204800x128xf32, #tpu.memory_space<hbm>> -> memref<204800x128xf32, #tpu.memory_space<hbm>>
    tpu.enqueue_indirect_dma source(%dma_start3A_19 : memref<204800x128xf32, #tpu.memory_space<hbm>>) target(%dma_start3A_13 : memref<128x128xf32, #tpu.memory_space<vmem>>) offsets(%dma_start3A_16 : memref<128xi32, #tpu.memory_space<vmem>>) semaphore(%arg8 : memref<!tpu.dma_semaphore, #tpu.memory_space<semaphore_mem>>)
    %dma_start3A_20 = arith.constant 2 : i32
    %dma_start3A_21 = arith.constant 0 : i32
    %dma_start3A_22 = arith.constant 0 : i32
    %dma_start3A_23 = tpu.memref_slice %arg7[%dma_start3A_21, %dma_start3A_22] : memref<256x128xf32, #tpu.memory_space<vmem>> -> memref<128x128xf32, #tpu.memory_space<vmem>>
    %dma_start3A_24 = arith.constant 0 : i32
    %dma_start3A_25 = tpu.memref_slice %arg5[%dma_start3A_20, %dma_start3A_24] : memref<4x128xi32, #tpu.memory_space<vmem>> -> memref<1x128xi32, #tpu.memory_space<vmem>>
    %dma_start3A_26 = tpu.memref_squeeze %dma_start3A_25 : memref<1x128xi32, #tpu.memory_space<vmem>> -> memref<128xi32, #tpu.memory_space<vmem>>
    %dma_start3A_27 = arith.constant 0 : i32
    %dma_start3A_28 = arith.constant 0 : i32
    %dma_start3A_29 = tpu.memref_slice %arg3[%dma_start3A_27, %dma_start3A_28] : memref<204800x128xf32, #tpu.memory_space<hbm>> -> memref<204800x128xf32, #tpu.memory_space<hbm>>
    tpu.enqueue_indirect_dma source(%dma_start3A_29 : memref<204800x128xf32, #tpu.memory_space<hbm>>) target(%dma_start3A_23 : memref<128x128xf32, #tpu.memory_space<vmem>>) offsets(%dma_start3A_26 : memref<128xi32, #tpu.memory_space<vmem>>) semaphore(%arg9 : memref<!tpu.dma_semaphore, #tpu.memory_space<semaphore_mem>>)
    %dma_start3A_30 = arith.constant 3 : i32
    %dma_start3A_31 = arith.constant 128 : i32
    %dma_start3A_32 = arith.constant 0 : i32
    %dma_start3A_33 = tpu.memref_slice %arg7[%dma_start3A_31, %dma_start3A_32] : memref<256x128xf32, #tpu.memory_space<vmem>> -> memref<128x128xf32, #tpu.memory_space<vmem>>
    %dma_start3A_34 = arith.constant 0 : i32
    %dma_start3A_35 = tpu.memref_slice %arg5[%dma_start3A_30, %dma_start3A_34] : memref<4x128xi32, #tpu.memory_space<vmem>> -> memref<1x128xi32, #tpu.memory_space<vmem>>
    %dma_start3A_36 = tpu.memref_squeeze %dma_start3A_35 : memref<1x128xi32, #tpu.memory_space<vmem>> -> memref<128xi32, #tpu.memory_space<vmem>>
    %dma_start3A_37 = arith.constant 0 : i32
    %dma_start3A_38 = arith.constant 0 : i32
    %dma_start3A_39 = tpu.memref_slice %arg3[%dma_start3A_37, %dma_start3A_38] : memref<204800x128xf32, #tpu.memory_space<hbm>> -> memref<204800x128xf32, #tpu.memory_space<hbm>>
    tpu.enqueue_indirect_dma source(%dma_start3A_39 : memref<204800x128xf32, #tpu.memory_space<hbm>>) target(%dma_start3A_33 : memref<128x128xf32, #tpu.memory_space<vmem>>) offsets(%dma_start3A_36 : memref<128xi32, #tpu.memory_space<vmem>>) semaphore(%arg9 : memref<!tpu.dma_semaphore, #tpu.memory_space<semaphore_mem>>)
    %dma_wait3A = arith.constant 0 : i32
    %dma_wait3A_40 = arith.constant 0 : i32
    %dma_wait3A_41 = arith.constant 0 : i32
    %dma_wait3A_42 = tpu.memref_slice %arg6[%dma_wait3A_40, %dma_wait3A_41] : memref<256x128xf32, #tpu.memory_space<vmem>> -> memref<128x128xf32, #tpu.memory_space<vmem>>
    %dma_wait3A_43 = arith.constant 0 : i32
    %dma_wait3A_44 = tpu.memref_slice %arg5[%dma_wait3A, %dma_wait3A_43] : memref<4x128xi32, #tpu.memory_space<vmem>> -> memref<1x128xi32, #tpu.memory_space<vmem>>
    %dma_wait3A_45 = tpu.memref_squeeze %dma_wait3A_44 : memref<1x128xi32, #tpu.memory_space<vmem>> -> memref<128xi32, #tpu.memory_space<vmem>>
    %dma_wait3A_46 = arith.constant 0 : i32
    %dma_wait3A_47 = arith.constant 0 : i32
    %dma_wait3A_48 = tpu.memref_slice %arg3[%dma_wait3A_46, %dma_wait3A_47] : memref<204800x128xf32, #tpu.memory_space<hbm>> -> memref<204800x128xf32, #tpu.memory_space<hbm>>
    tpu.wait_indirect_dma semaphore(%arg8 : memref<!tpu.dma_semaphore, #tpu.memory_space<semaphore_mem>>) src(%dma_wait3A_48 : memref<204800x128xf32, #tpu.memory_space<hbm>>) dst(%dma_wait3A_42 : memref<128x128xf32, #tpu.memory_space<vmem>>)
    %dma_wait3A_49 = arith.constant 1 : i32
    %dma_wait3A_50 = arith.constant 128 : i32
    %dma_wait3A_51 = arith.constant 0 : i32
    %dma_wait3A_52 = tpu.memref_slice %arg6[%dma_wait3A_50, %dma_wait3A_51] : memref<256x128xf32, #tpu.memory_space<vmem>> -> memref<128x128xf32, #tpu.memory_space<vmem>>
    %dma_wait3A_53 = arith.constant 0 : i32
    %dma_wait3A_54 = tpu.memref_slice %arg5[%dma_wait3A_49, %dma_wait3A_53] : memref<4x128xi32, #tpu.memory_space<vmem>> -> memref<1x128xi32, #tpu.memory_space<vmem>>
    %dma_wait3A_55 = tpu.memref_squeeze %dma_wait3A_54 : memref<1x128xi32, #tpu.memory_space<vmem>> -> memref<128xi32, #tpu.memory_space<vmem>>
    %dma_wait3A_56 = arith.constant 0 : i32
    %dma_wait3A_57 = arith.constant 0 : i32
    %dma_wait3A_58 = tpu.memref_slice %arg3[%dma_wait3A_56, %dma_wait3A_57] : memref<204800x128xf32, #tpu.memory_space<hbm>> -> memref<204800x128xf32, #tpu.memory_space<hbm>>
    tpu.wait_indirect_dma semaphore(%arg8 : memref<!tpu.dma_semaphore, #tpu.memory_space<semaphore_mem>>) src(%dma_wait3A_58 : memref<204800x128xf32, #tpu.memory_space<hbm>>) dst(%dma_wait3A_52 : memref<128x128xf32, #tpu.memory_space<vmem>>)
    %mul3A_59 = arith.constant 512 : i32
    %mul3A_60 = arith.muli %add3A, %mul3A_59 : i32
    %add3A_61 = arith.constant 0 : i32
    %add3A_62 = arith.addi %mul3A_60, %add3A_61 : i32
    "tpu.region"() ({
      %run_scoped3A = tpu.sem_alloc : memref<!tpu.dma_semaphore, #tpu.memory_space<semaphore_mem>>
      %dma_start3A_87 = arith.constant 0 : i32
      %dma_start3A_88 = tpu.memref_slice %arg4[%add3A_62, %dma_start3A_87] : memref<16384x128xf32, #tpu.memory_space<hbm>> -> memref<256x128xf32, #tpu.memory_space<hbm>>
      %dma_start3A_89 = arith.constant 0 : i32
      %dma_start3A_90 = tpu.memref_slice %arg4[%add3A_62, %dma_start3A_89] : memref<16384x128xf32, #tpu.memory_space<hbm>> -> memref<256x128xf32, #tpu.memory_space<hbm>>
      tpu.enqueue_dma source(%arg6 : memref<256x128xf32, #tpu.memory_space<vmem>>) target(%dma_start3A_90 : memref<256x128xf32, #tpu.memory_space<hbm>>) target_semaphore(%run_scoped3A : memref<!tpu.dma_semaphore, #tpu.memory_space<semaphore_mem>>)
      %dma_wait3A_91 = arith.constant 0 : i32
      %dma_wait3A_92 = tpu.memref_slice %arg4[%add3A_62, %dma_wait3A_91] : memref<16384x128xf32, #tpu.memory_space<hbm>> -> memref<256x128xf32, #tpu.memory_space<hbm>>
      %dma_wait3A_93 = arith.constant 0 : i32
      %dma_wait3A_94 = tpu.memref_slice %arg4[%add3A_62, %dma_wait3A_93] : memref<16384x128xf32, #tpu.memory_space<hbm>> -> memref<256x128xf32, #tpu.memory_space<hbm>>
      tpu.wait_dma2 semaphore(%run_scoped3A : memref<!tpu.dma_semaphore, #tpu.memory_space<semaphore_mem>>) src(%arg6 : memref<256x128xf32, #tpu.memory_space<vmem>>) dst(%dma_wait3A_94 : memref<256x128xf32, #tpu.memory_space<hbm>>)
      tpu.yield
    }) : () -> ()
    %dma_wait3A_63 = arith.constant 2 : i32
    %dma_wait3A_64 = arith.constant 0 : i32
    %dma_wait3A_65 = arith.constant 0 : i32
    %dma_wait3A_66 = tpu.memref_slice %arg7[%dma_wait3A_64, %dma_wait3A_65] : memref<256x128xf32, #tpu.memory_space<vmem>> -> memref<128x128xf32, #tpu.memory_space<vmem>>
    %dma_wait3A_67 = arith.constant 0 : i32
    %dma_wait3A_68 = tpu.memref_slice %arg5[%dma_wait3A_63, %dma_wait3A_67] : memref<4x128xi32, #tpu.memory_space<vmem>> -> memref<1x128xi32, #tpu.memory_space<vmem>>
    %dma_wait3A_69 = tpu.memref_squeeze %dma_wait3A_68 : memref<1x128xi32, #tpu.memory_space<vmem>> -> memref<128xi32, #tpu.memory_space<vmem>>
    %dma_wait3A_70 = arith.constant 0 : i32
    %dma_wait3A_71 = arith.constant 0 : i32
    %dma_wait3A_72 = tpu.memref_slice %arg3[%dma_wait3A_70, %dma_wait3A_71] : memref<204800x128xf32, #tpu.memory_space<hbm>> -> memref<204800x128xf32, #tpu.memory_space<hbm>>
    tpu.wait_indirect_dma semaphore(%arg9 : memref<!tpu.dma_semaphore, #tpu.memory_space<semaphore_mem>>) src(%dma_wait3A_72 : memref<204800x128xf32, #tpu.memory_space<hbm>>) dst(%dma_wait3A_66 : memref<128x128xf32, #tpu.memory_space<vmem>>)
    %dma_wait3A_73 = arith.constant 3 : i32
    %dma_wait3A_74 = arith.constant 128 : i32
    %dma_wait3A_75 = arith.constant 0 : i32
    %dma_wait3A_76 = tpu.memref_slice %arg7[%dma_wait3A_74, %dma_wait3A_75] : memref<256x128xf32, #tpu.memory_space<vmem>> -> memref<128x128xf32, #tpu.memory_space<vmem>>
    %dma_wait3A_77 = arith.constant 0 : i32
    %dma_wait3A_78 = tpu.memref_slice %arg5[%dma_wait3A_73, %dma_wait3A_77] : memref<4x128xi32, #tpu.memory_space<vmem>> -> memref<1x128xi32, #tpu.memory_space<vmem>>
    %dma_wait3A_79 = tpu.memref_squeeze %dma_wait3A_78 : memref<1x128xi32, #tpu.memory_space<vmem>> -> memref<128xi32, #tpu.memory_space<vmem>>
    %dma_wait3A_80 = arith.constant 0 : i32
    %dma_wait3A_81 = arith.constant 0 : i32
    %dma_wait3A_82 = tpu.memref_slice %arg3[%dma_wait3A_80, %dma_wait3A_81] : memref<204800x128xf32, #tpu.memory_space<hbm>> -> memref<204800x128xf32, #tpu.memory_space<hbm>>
    tpu.wait_indirect_dma semaphore(%arg9 : memref<!tpu.dma_semaphore, #tpu.memory_space<semaphore_mem>>) src(%dma_wait3A_82 : memref<204800x128xf32, #tpu.memory_space<hbm>>) dst(%dma_wait3A_76 : memref<128x128xf32, #tpu.memory_space<vmem>>)
    %mul3A_83 = arith.constant 512 : i32
    %mul3A_84 = arith.muli %add3A, %mul3A_83 : i32
    %add3A_85 = arith.constant 256 : i32
    %add3A_86 = arith.addi %mul3A_84, %add3A_85 : i32
    "tpu.region"() ({
      %run_scoped3A = tpu.sem_alloc : memref<!tpu.dma_semaphore, #tpu.memory_space<semaphore_mem>>
      %dma_start3A_87 = arith.constant 0 : i32
      %dma_start3A_88 = tpu.memref_slice %arg4[%add3A_86, %dma_start3A_87] : memref<16384x128xf32, #tpu.memory_space<hbm>> -> memref<256x128xf32, #tpu.memory_space<hbm>>
      %dma_start3A_89 = arith.constant 0 : i32
      %dma_start3A_90 = tpu.memref_slice %arg4[%add3A_86, %dma_start3A_89] : memref<16384x128xf32, #tpu.memory_space<hbm>> -> memref<256x128xf32, #tpu.memory_space<hbm>>
      tpu.enqueue_dma source(%arg7 : memref<256x128xf32, #tpu.memory_space<vmem>>) target(%dma_start3A_90 : memref<256x128xf32, #tpu.memory_space<hbm>>) target_semaphore(%run_scoped3A : memref<!tpu.dma_semaphore, #tpu.memory_space<semaphore_mem>>)
      %dma_wait3A_91 = arith.constant 0 : i32
      %dma_wait3A_92 = tpu.memref_slice %arg4[%add3A_86, %dma_wait3A_91] : memref<16384x128xf32, #tpu.memory_space<hbm>> -> memref<256x128xf32, #tpu.memory_space<hbm>>
      %dma_wait3A_93 = arith.constant 0 : i32
      %dma_wait3A_94 = tpu.memref_slice %arg4[%add3A_86, %dma_wait3A_93] : memref<16384x128xf32, #tpu.memory_space<hbm>> -> memref<256x128xf32, #tpu.memory_space<hbm>>
      tpu.wait_dma2 semaphore(%run_scoped3A : memref<!tpu.dma_semaphore, #tpu.memory_space<semaphore_mem>>) src(%arg7 : memref<256x128xf32, #tpu.memory_space<vmem>>) dst(%dma_wait3A_94 : memref<256x128xf32, #tpu.memory_space<hbm>>)
      tpu.yield
    }) : () -> ()
    return
  }
}

module attributes {stable_mosaic.version = 14 : i64} {
  func.func @_pass1_body(%arg0: i32, %arg1: i32, %arg2: memref<256x128xf32, #tpu.memory_space<vmem>>, %arg3: memref<2048x128xf32, #tpu.memory_space<vmem>>, %arg4: memref<256x8xf32, #tpu.memory_space<vmem>>, %arg5: memref<256x8xf32, #tpu.memory_space<vmem>>, %arg6: memref<1x1x2048xf32, #tpu.memory_space<vmem>>, %arg7: memref<1x1x2048xf32, #tpu.memory_space<vmem>>, %arg8: memref<256x16x128xf32, #tpu.memory_space<vmem>>, %arg9: memref<1x256x16xf32, #tpu.memory_space<vmem>>, %arg10: memref<256x8xf32, #tpu.memory_space<vmem>>) attributes {dimension_semantics = [#tpu.dimension_semantics<arbitrary>, #tpu.dimension_semantics<arbitrary>], iteration_bounds = array<i64: 1, 50>, scalar_prefetch = 0 : i64, scratch_operands = 0 : i64, tpu.core_type = #tpu.core_type<tc>, window_params = [{transform_indices = @transform_0, window_bounds = array<i64: 256, 128>}, {transform_indices = @transform_1, window_bounds = array<i64: 2048, 128>}, {transform_indices = @transform_2, window_bounds = array<i64: 256, 8>}, {transform_indices = @transform_3, window_bounds = array<i64: 256, 8>}, {transform_indices = @transform_4, window_bounds = array<i64: 1, 1, 2048>}, {transform_indices = @transform_5, window_bounds = array<i64: 1, 1, 2048>}, {transform_indices = @transform_6, window_bounds = array<i64: 256, 16, 128>}, {transform_indices = @transform_7, window_bounds = array<i64: 1, 256, 16>}, {transform_indices = @transform_8, window_bounds = array<i64: 256, 8>}]} {
    %get3A = arith.constant 0 : index
    %get3A_0 = arith.constant 0 : index
    %get3A_1 = vector.load %arg2[%get3A, %get3A_0] : memref<256x128xf32, #tpu.memory_space<vmem>>, vector<256x128xf32>
    %mul3A = arith.mulf %get3A_1, %get3A_1 : vector<256x128xf32>
    %reduce_sum3A = arith.constant dense<0.000000e+00> : vector<256xf32>
    %reduce_sum3A_2 = vector.multi_reduction <add>, %mul3A, %reduce_sum3A [1] : vector<256x128xf32> to vector<256xf32>
    %broadcast_in_dim3A = vector.shape_cast %reduce_sum3A_2 : vector<256xf32> to vector<256x1xf32>
    %sqrt3A = math.sqrt %broadcast_in_dim3A : vector<256x1xf32>
    %max3A = arith.constant 9.99999996E-13 : f32
    %max3A_3 = vector.broadcast %max3A : f32 to vector<256x1xf32>
    %max3A_4 = arith.maximumf %sqrt3A, %max3A_3 : vector<256x1xf32>
    %div3A = vector.broadcast %max3A_4 : vector<256x1xf32> to vector<256x128xf32>
    %div3A_5 = arith.divf %get3A_1, %div3A : vector<256x128xf32>
    %get3A_6 = arith.constant 0 : index
    %get3A_7 = arith.constant 0 : index
    %get3A_8 = vector.load %arg3[%get3A_6, %get3A_7] : memref<2048x128xf32, #tpu.memory_space<vmem>>, vector<2048x128xf32>
    %dot_general3A = arith.constant dense<0.000000e+00> : vector<256x2048xf32>
    %dot_general3A_9 = tpu.matmul %div3A_5, %get3A_8, %dot_general3A {dimension_numbers = #tpu.dot_dimension_numbers<[1], [1], [0], [0], [0, 0, 1, 0], [], []>, transpose_lhs_hint = false} : vector<256x128xf32>, vector<2048x128xf32>, vector<256x2048xf32> -> vector<256x2048xf32>
    %div3A_10 = arith.constant 7.000000e-02 : f32
    %div3A_11 = vector.broadcast %div3A_10 : f32 to vector<256x2048xf32>
    %div3A_12 = arith.divf %dot_general3A_9, %div3A_11 : vector<256x2048xf32>
    %get3A_13 = arith.constant 0 : index
    %get3A_14 = arith.constant 0 : index
    %get3A_15 = vector.load %arg4[%get3A_13, %get3A_14] : memref<256x8xf32, #tpu.memory_space<vmem>>, vector<256x1xf32>
    %get3A_16 = arith.constant 0 : index
    %get3A_17 = arith.constant 0 : index
    %get3A_18 = vector.load %arg5[%get3A_16, %get3A_17] : memref<256x8xf32, #tpu.memory_space<vmem>>, vector<256x1xf32>
    %get3A_19 = arith.constant 0 : index
    %get3A_20 = arith.constant 0 : index
    %get3A_21 = arith.constant 0 : index
    %get3A_22 = vector.load %arg6[%get3A_19, %get3A_20, %get3A_21] : memref<1x1x2048xf32, #tpu.memory_space<vmem>>, vector<1x1x2048xf32>
    %get3A_23 = vector.shape_cast %get3A_22 : vector<1x1x2048xf32> to vector<1x2048xf32>
    %get3A_24 = arith.constant 0 : index
    %get3A_25 = arith.constant 0 : index
    %get3A_26 = arith.constant 0 : index
    %get3A_27 = vector.load %arg7[%get3A_24, %get3A_25, %get3A_26] : memref<1x1x2048xf32, #tpu.memory_space<vmem>>, vector<1x1x2048xf32>
    %get3A_28 = vector.shape_cast %get3A_27 : vector<1x1x2048xf32> to vector<1x2048xf32>
    %eq3A = vector.broadcast %get3A_15 : vector<256x1xf32> to vector<256x2048xf32>
    %eq3A_29 = vector.broadcast %get3A_23 : vector<1x2048xf32> to vector<256x2048xf32>
    %eq3A_30 = arith.cmpf oeq, %eq3A, %eq3A_29 : vector<256x2048xf32>
    %ge3A = arith.constant 0.000000e+00 : f32
    %ge3A_31 = vector.broadcast %ge3A : f32 to vector<1x2048xf32>
    %ge3A_32 = arith.cmpf oge, %get3A_23, %ge3A_31 : vector<1x2048xf32>
    %not3A = arith.constant dense<true> : vector<256x2048xi1>
    %not3A_33 = arith.xori %eq3A_30, %not3A : vector<256x2048xi1>
    %and3A = vector.broadcast %ge3A_32 : vector<1x2048xi1> to vector<256x2048xi1>
    %and3A_34 = arith.andi %and3A, %not3A_33 : vector<256x2048xi1>
    %ne3A = vector.broadcast %get3A_18 : vector<256x1xf32> to vector<256x2048xf32>
    %ne3A_35 = vector.broadcast %get3A_28 : vector<1x2048xf32> to vector<256x2048xf32>
    %ne3A_36 = arith.cmpf one, %ne3A, %ne3A_35 : vector<256x2048xf32>
    %and3A_37 = arith.andi %eq3A_30, %ne3A_36 : vector<256x2048xi1>
    %add3A = arith.constant 0xCB18967F : f32
    %add3A_38 = vector.broadcast %add3A : f32 to vector<256x2048xf32>
    %add3A_39 = arith.addf %div3A_12, %add3A_38 : vector<256x2048xf32>
    %select_n3A = arith.select %and3A_34, %div3A_12, %add3A_39 : vector<256x2048xi1>, vector<256x2048xf32>
    %reshape3A = vector.shape_cast %select_n3A : vector<256x2048xf32> to vector<256x16x128xf32>
    %swap3A = arith.constant 0 : index
    %swap3A_40 = arith.constant 0 : index
    %swap3A_41 = arith.constant 0 : index
    %swap3A_42 = vector.load %arg8[%swap3A, %swap3A_40, %swap3A_41] : memref<256x16x128xf32, #tpu.memory_space<vmem>>, vector<256x16x128xf32>
    tpu.vector_store %arg8[%swap3A, %swap3A_40, %swap3A_41], %reshape3A {strides = array<i32>} : memref<256x16x128xf32, #tpu.memory_space<vmem>>, vector<256x16x128xf32>,
    %reduce_max3A = arith.constant dense<0xFF800000> : vector<256x16xf32>
    %reduce_max3A_43 = vector.multi_reduction <maximumf>, %reshape3A, %reduce_max3A [2] : vector<256x16x128xf32> to vector<256x16xf32>
    %reshape3A_44 = vector.shape_cast %reduce_max3A_43 : vector<256x16xf32> to vector<1x256x16xf32>
    %swap3A_45 = arith.constant 0 : index
    %swap3A_46 = arith.constant 0 : index
    %swap3A_47 = arith.constant 0 : index
    %swap3A_48 = vector.load %arg9[%swap3A_45, %swap3A_46, %swap3A_47] : memref<1x256x16xf32, #tpu.memory_space<vmem>>, vector<1x256x16xf32>
    tpu.vector_store %arg9[%swap3A_45, %swap3A_46, %swap3A_47], %reshape3A_44 {strides = array<i32>} : memref<1x256x16xf32, #tpu.memory_space<vmem>>, vector<1x256x16xf32>,
    %jit3A = arith.constant -1.000000e+30 : f32
    %broadcast_in_dim3A_49 = vector.broadcast %jit3A : f32 to vector<256x2048xf32>
    %select_n3A_50 = arith.select %and3A_37, %div3A_12, %broadcast_in_dim3A_49 : vector<256x2048xi1>, vector<256x2048xf32>
    %reduce_max3A_51 = arith.constant dense<0xFF800000> : vector<256xf32>
    %reduce_max3A_52 = vector.multi_reduction <maximumf>, %select_n3A_50, %reduce_max3A_51 [1] : vector<256x2048xf32> to vector<256xf32>
    %broadcast_in_dim3A_53 = vector.shape_cast %reduce_max3A_52 : vector<256xf32> to vector<256x1xf32>
    %sub3A = vector.broadcast %broadcast_in_dim3A_53 : vector<256x1xf32> to vector<256x2048xf32>
    %sub3A_54 = arith.subf %select_n3A_50, %sub3A : vector<256x2048xf32>
    %exp3A = math.exp %sub3A_54 : vector<256x2048xf32>
    %reduce_sum3A_55 = arith.constant dense<0.000000e+00> : vector<256xf32>
    %reduce_sum3A_56 = vector.multi_reduction <add>, %exp3A, %reduce_sum3A_55 [1] : vector<256x2048xf32> to vector<256xf32>
    %broadcast_in_dim3A_57 = vector.shape_cast %reduce_sum3A_56 : vector<256xf32> to vector<256x1xf32>
    %jit3A_58 = arith.constant 0.000000e+00 : f32
    %broadcast_in_dim3A_59 = vector.broadcast %jit3A_58 : f32 to vector<256x2048xf32>
    %select_n3A_60 = arith.select %and3A_37, %div3A_12, %broadcast_in_dim3A_59 : vector<256x2048xi1>, vector<256x2048xf32>
    %reduce_sum3A_61 = arith.constant dense<0.000000e+00> : vector<256xf32>
    %reduce_sum3A_62 = vector.multi_reduction <add>, %select_n3A_60, %reduce_sum3A_61 [1] : vector<256x2048xf32> to vector<256xf32>
    %broadcast_in_dim3A_63 = vector.shape_cast %reduce_sum3A_62 : vector<256xf32> to vector<256x1xf32>
    %jit3A_64 = arith.constant 1.000000e+00 : f32
    %jit3A_65 = arith.constant 0.000000e+00 : f32
    %broadcast_in_dim3A_66 = vector.broadcast %jit3A_64 : f32 to vector<256x2048xf32>
    %broadcast_in_dim3A_67 = vector.broadcast %jit3A_65 : f32 to vector<256x2048xf32>
    %select_n3A_68 = arith.select %and3A_37, %broadcast_in_dim3A_66, %broadcast_in_dim3A_67 : vector<256x2048xi1>, vector<256x2048xf32>
    %reduce_sum3A_69 = arith.constant dense<0.000000e+00> : vector<256xf32>
    %reduce_sum3A_70 = vector.multi_reduction <add>, %select_n3A_68, %reduce_sum3A_69 [1] : vector<256x2048xf32> to vector<256xf32>
    %broadcast_in_dim3A_71 = vector.shape_cast %reduce_sum3A_70 : vector<256xf32> to vector<256x1xf32>
    %eq3A_72 = arith.constant 0 : i32
    %eq3A_73 = arith.cmpi eq, %arg1, %eq3A_72 : i32
    %convert_element_type3A = arith.extui %eq3A_73 : i1 to i32
    %cond3A = arith.constant 0 : i32
    %cond3A_74 = arith.cmpi ne, %convert_element_type3A, %cond3A : i32
    scf.if %cond3A_74 {
      %iota3A = tpu.iota {dimensions = array<i32: 1>} : vector<256x8xi32>
      %eq3A_109 = arith.constant 0 : i32
      %eq3A_110 = vector.broadcast %eq3A_109 : i32 to vector<256x8xi32>
      %eq3A_111 = arith.cmpi eq, %iota3A, %eq3A_110 : vector<256x8xi32>
      %jit3A_112 = arith.constant -1.000000e+30 : f32
      %jit3A_113 = arith.constant 0.000000e+00 : f32
      %broadcast_in_dim3A_114 = vector.broadcast %jit3A_112 : f32 to vector<256x8xf32>
      %broadcast_in_dim3A_115 = vector.broadcast %jit3A_113 : f32 to vector<256x8xf32>
      %select_n3A_116 = arith.select %eq3A_111, %broadcast_in_dim3A_114, %broadcast_in_dim3A_115 : vector<256x8xi1>, vector<256x8xf32>
      %swap3A_117 = arith.constant 0 : index
      %swap3A_118 = arith.constant 0 : index
      %swap3A_119 = vector.load %arg10[%swap3A_117, %swap3A_118] : memref<256x8xf32, #tpu.memory_space<vmem>>, vector<256x8xf32>
      tpu.vector_store %arg10[%swap3A_117, %swap3A_118], %select_n3A_116 {strides = array<i32>} : memref<256x8xf32, #tpu.memory_space<vmem>>, vector<256x8xf32>,
    } else {
    }
    %get3A_75 = arith.constant 0 : index
    %get3A_76 = arith.constant 0 : index
    %get3A_77 = vector.load %arg10[%get3A_75, %get3A_76] : memref<256x8xf32, #tpu.memory_space<vmem>>, vector<256x1xf32>
    %get3A_78 = arith.constant 0 : index
    %get3A_79 = arith.constant 1 : index
    %get3A_80 = vector.load %arg10[%get3A_78, %get3A_79] : memref<256x8xf32, #tpu.memory_space<vmem>>, vector<256x1xf32>
    %max3A_81 = arith.maximumf %get3A_77, %broadcast_in_dim3A_53 : vector<256x1xf32>
    %sub3A_82 = arith.subf %get3A_77, %max3A_81 : vector<256x1xf32>
    %exp3A_83 = math.exp %sub3A_82 : vector<256x1xf32>
    %mul3A_84 = arith.mulf %get3A_80, %exp3A_83 : vector<256x1xf32>
    %sub3A_85 = arith.subf %broadcast_in_dim3A_53, %max3A_81 : vector<256x1xf32>
    %exp3A_86 = math.exp %sub3A_85 : vector<256x1xf32>
    %mul3A_87 = arith.mulf %broadcast_in_dim3A_57, %exp3A_86 : vector<256x1xf32>
    %add3A_88 = arith.addf %mul3A_84, %mul3A_87 : vector<256x1xf32>
    %swap3A_89 = arith.constant 0 : index
    %swap3A_90 = arith.constant 0 : index
    %swap3A_91 = vector.load %arg10[%swap3A_89, %swap3A_90] : memref<256x8xf32, #tpu.memory_space<vmem>>, vector<256x1xf32>
    tpu.vector_store %arg10[%swap3A_89, %swap3A_90], %max3A_81 {strides = array<i32>} : memref<256x8xf32, #tpu.memory_space<vmem>>, vector<256x1xf32>,
    %swap3A_92 = arith.constant 0 : index
    %swap3A_93 = arith.constant 1 : index
    %swap3A_94 = vector.load %arg10[%swap3A_92, %swap3A_93] : memref<256x8xf32, #tpu.memory_space<vmem>>, vector<256x1xf32>
    tpu.vector_store %arg10[%swap3A_92, %swap3A_93], %add3A_88 {strides = array<i32>} : memref<256x8xf32, #tpu.memory_space<vmem>>, vector<256x1xf32>,
    %get3A_95 = arith.constant 0 : index
    %get3A_96 = arith.constant 2 : index
    %get3A_97 = vector.load %arg10[%get3A_95, %get3A_96] : memref<256x8xf32, #tpu.memory_space<vmem>>, vector<256x1xf32>
    %add3A_98 = arith.addf %get3A_97, %broadcast_in_dim3A_63 : vector<256x1xf32>
    %swap3A_99 = arith.constant 0 : index
    %swap3A_100 = arith.constant 2 : index
    %swap3A_101 = vector.load %arg10[%swap3A_99, %swap3A_100] : memref<256x8xf32, #tpu.memory_space<vmem>>, vector<256x1xf32>
    tpu.vector_store %arg10[%swap3A_99, %swap3A_100], %add3A_98 {strides = array<i32>} : memref<256x8xf32, #tpu.memory_space<vmem>>, vector<256x1xf32>,
    %get3A_102 = arith.constant 0 : index
    %get3A_103 = arith.constant 3 : index
    %get3A_104 = vector.load %arg10[%get3A_102, %get3A_103] : memref<256x8xf32, #tpu.memory_space<vmem>>, vector<256x1xf32>
    %add3A_105 = arith.addf %get3A_104, %broadcast_in_dim3A_71 : vector<256x1xf32>
    %swap3A_106 = arith.constant 0 : index
    %swap3A_107 = arith.constant 3 : index
    %swap3A_108 = vector.load %arg10[%swap3A_106, %swap3A_107] : memref<256x8xf32, #tpu.memory_space<vmem>>, vector<256x1xf32>
    tpu.vector_store %arg10[%swap3A_106, %swap3A_107], %add3A_105 {strides = array<i32>} : memref<256x8xf32, #tpu.memory_space<vmem>>, vector<256x1xf32>,
    return
  }
  func.func @transform_0(%arg0: i32, %arg1: i32) -> (i32, i32) {
    %c0_i32 = arith.constant 0 : i32
    %c0_i32_0 = arith.constant 0 : i32
    return %arg0, %c0_i32 : i32, i32
  }
  func.func @transform_1(%arg0: i32, %arg1: i32) -> (i32, i32) {
    %c0_i32 = arith.constant 0 : i32
    %c0_i32_0 = arith.constant 0 : i32
    return %arg1, %c0_i32 : i32, i32
  }
  func.func @transform_2(%arg0: i32, %arg1: i32) -> (i32, i32) {
    %c0_i32 = arith.constant 0 : i32
    %c0_i32_0 = arith.constant 0 : i32
    return %arg0, %c0_i32 : i32, i32
  }
  func.func @transform_3(%arg0: i32, %arg1: i32) -> (i32, i32) {
    %c0_i32 = arith.constant 0 : i32
    %c0_i32_0 = arith.constant 0 : i32
    return %arg0, %c0_i32 : i32, i32
  }
  func.func @transform_4(%arg0: i32, %arg1: i32) -> (i32, i32, i32) {
    %c0_i32 = arith.constant 0 : i32
    %c0_i32_0 = arith.constant 0 : i32
    %c0_i32_1 = arith.constant 0 : i32
    return %arg1, %c0_i32, %c0_i32_0 : i32, i32, i32
  }
  func.func @transform_5(%arg0: i32, %arg1: i32) -> (i32, i32, i32) {
    %c0_i32 = arith.constant 0 : i32
    %c0_i32_0 = arith.constant 0 : i32
    %c0_i32_1 = arith.constant 0 : i32
    return %arg1, %c0_i32, %c0_i32_0 : i32, i32, i32
  }
  func.func @transform_6(%arg0: i32, %arg1: i32) -> (i32, i32, i32) {
    %c0_i32 = arith.constant 0 : i32
    %c0_i32_0 = arith.constant 0 : i32
    return %arg0, %arg1, %c0_i32 : i32, i32, i32
  }
  func.func @transform_7(%arg0: i32, %arg1: i32) -> (i32, i32, i32) {
    %c0_i32 = arith.constant 0 : i32
    %c0_i32_0 = arith.constant 0 : i32
    return %arg1, %arg0, %c0_i32 : i32, i32, i32
  }
  func.func @transform_8(%arg0: i32, %arg1: i32) -> (i32, i32) {
    %c0_i32 = arith.constant 0 : i32
    %c0_i32_0 = arith.constant 0 : i32
    return %arg0, %c0_i32 : i32, i32
  }
}

module attributes {stable_mosaic.version = 14 : i64} {
  func.func @_pass2_body(%arg0: i32, %arg1: memref<256x800xf32, #tpu.memory_space<vmem>>, %arg2: memref<256x64xi32, #tpu.memory_space<vmem>>, %arg3: memref<256x800xf32, #tpu.memory_space<vmem>>) attributes {dimension_semantics = [#tpu.dimension_semantics<arbitrary>], iteration_bounds = array<i64: 1>, scalar_prefetch = 0 : i64, scratch_operands = 1 : i64, tpu.core_type = #tpu.core_type<tc>, window_params = [{transform_indices = @transform_0, window_bounds = array<i64: 256, 800>}, {transform_indices = @transform_1, window_bounds = array<i64: 256, 64>}]} {
    %get3A = arith.constant 0 : index
    %get3A_0 = arith.constant 0 : index
    %get3A_1 = vector.load %arg1[%get3A, %get3A_0] : memref<256x800xf32, #tpu.memory_space<vmem>>, vector<256x800xf32>
    %swap3A = arith.constant 0 : index
    %swap3A_2 = arith.constant 0 : index
    %swap3A_3 = vector.load %arg3[%swap3A, %swap3A_2] : memref<256x800xf32, #tpu.memory_space<vmem>>, vector<256x800xf32>
    tpu.vector_store %arg3[%swap3A, %swap3A_2], %get3A_1 {strides = array<i32>} : memref<256x800xf32, #tpu.memory_space<vmem>>, vector<256x800xf32>,
    %iota3A = tpu.iota {dimensions = array<i32: 1>} : vector<256x800xi32>
    %iota3A_4 = tpu.iota {dimensions = array<i32: 1>} : vector<256x64xi32>
    %iota3A_5 = tpu.iota {dimensions = array<i32: 0>} : vector<256x1xi32>
    %mul3A = arith.constant 256 : i32
    %mul3A_6 = arith.muli %arg0, %mul3A : i32
    %add3A = vector.broadcast %mul3A_6 : i32 to vector<256x1xi32>
    %add3A_7 = arith.addi %iota3A_5, %add3A : vector<256x1xi32>
    %mul3A_8 = arith.constant 800 : i32
    %mul3A_9 = vector.broadcast %mul3A_8 : i32 to vector<256x1xi32>
    %mul3A_10 = arith.muli %add3A_7, %mul3A_9 : vector<256x1xi32>
    %broadcast_in_dim3A = arith.constant 0 : i32
    %broadcast_in_dim3A_11 = vector.broadcast %broadcast_in_dim3A : i32 to vector<256x64xi32>
    %scan3A = arith.constant 0 : i32
    %scan3A_12 = arith.constant 50 : i32
    %scan3A_13 = arith.addi %scan3A, %scan3A_12 : i32
    %scan3A_14 = arith.constant 1 : i32
    %scan3A_15 = scf.for %scan3A_20 = %scan3A to %scan3A_13 step %scan3A_14 iter_args(%scan3A_21 = %broadcast_in_dim3A_11) -> (vector<256x64xi32>)  : i32 {
      %get3A_22 = arith.constant 0 : index
      %get3A_23 = arith.constant 0 : index
      %get3A_24 = vector.load %arg3[%get3A_22, %get3A_23] : memref<256x800xf32, #tpu.memory_space<vmem>>, vector<256x800xf32>
      %reduce_max3A = arith.constant dense<0xFF800000> : vector<256xf32>
      %reduce_max3A_25 = vector.multi_reduction <maximumf>, %get3A_24, %reduce_max3A [1] : vector<256x800xf32> to vector<256xf32>
      %broadcast_in_dim3A_26 = vector.shape_cast %reduce_max3A_25 : vector<256xf32> to vector<256x1xf32>
      %eq3A = vector.broadcast %broadcast_in_dim3A_26 : vector<256x1xf32> to vector<256x800xf32>
      %eq3A_27 = arith.cmpf oeq, %get3A_24, %eq3A : vector<256x800xf32>
      %jit3A = arith.constant -1 : i32
      %broadcast_in_dim3A_28 = vector.broadcast %jit3A : i32 to vector<256x800xi32>
      %select_n3A = arith.select %eq3A_27, %iota3A, %broadcast_in_dim3A_28 : vector<256x800xi1>, vector<256x800xi32>
      %reduce_max3A_29 = arith.constant dense<-2147483648> : vector<256xi32>
      %reduce_max3A_30 = vector.multi_reduction <maxsi>, %select_n3A, %reduce_max3A_29 [1] : vector<256x800xi32> to vector<256xi32>
      %broadcast_in_dim3A_31 = vector.shape_cast %reduce_max3A_30 : vector<256xi32> to vector<256x1xi32>
      %eq3A_32 = vector.broadcast %broadcast_in_dim3A_31 : vector<256x1xi32> to vector<256x800xi32>
      %eq3A_33 = arith.cmpi eq, %iota3A, %eq3A_32 : vector<256x800xi32>
      %jit3A_34 = arith.constant -3.000000e+38 : f32
      %broadcast_in_dim3A_35 = vector.broadcast %jit3A_34 : f32 to vector<256x800xf32>
      %select_n3A_36 = arith.select %eq3A_33, %broadcast_in_dim3A_35, %get3A_24 : vector<256x800xi1>, vector<256x800xf32>
      %swap3A_37 = arith.constant 0 : index
      %swap3A_38 = arith.constant 0 : index
      %swap3A_39 = vector.load %arg3[%swap3A_37, %swap3A_38] : memref<256x800xf32, #tpu.memory_space<vmem>>, vector<256x800xf32>
      tpu.vector_store %arg3[%swap3A_37, %swap3A_38], %select_n3A_36 {strides = array<i32>} : memref<256x800xf32, #tpu.memory_space<vmem>>, vector<256x800xf32>,
      %add3A_40 = arith.addi %mul3A_10, %broadcast_in_dim3A_31 : vector<256x1xi32>
      %broadcast_in_dim3A_41 = vector.shape_cast %add3A_40 : vector<256x1xi32> to vector<256x1xi32>
      %broadcast_in_dim3A_42 = vector.broadcast %broadcast_in_dim3A_41 : vector<256x1xi32> to vector<256x64xi32>
      %eq3A_43 = vector.broadcast %scan3A_20 : i32 to vector<256x64xi32>
      %eq3A_44 = arith.cmpi eq, %iota3A_4, %eq3A_43 : vector<256x64xi32>
      %select_n3A_45 = arith.select %eq3A_44, %broadcast_in_dim3A_42, %scan3A_21 : vector<256x64xi1>, vector<256x64xi32>
      scf.yield %select_n3A_45 : vector<256x64xi32>
    }
    %scan3A_16 = arith.constant 50 : i32
    %swap3A_17 = arith.constant 0 : index
    %swap3A_18 = arith.constant 0 : index
    %swap3A_19 = vector.load %arg2[%swap3A_17, %swap3A_18] : memref<256x64xi32, #tpu.memory_space<vmem>>, vector<256x64xi32>
    tpu.vector_store %arg2[%swap3A_17, %swap3A_18], %scan3A_15 {strides = array<i32>} : memref<256x64xi32, #tpu.memory_space<vmem>>, vector<256x64xi32>,
    return
  }
  func.func @transform_0(%arg0: i32) -> (i32, i32) {
    %c0_i32 = arith.constant 0 : i32
    %c0_i32_0 = arith.constant 0 : i32
    return %arg0, %c0_i32 : i32, i32
  }
  func.func @transform_1(%arg0: i32) -> (i32, i32) {
    %c0_i32 = arith.constant 0 : i32
    %c0_i32_0 = arith.constant 0 : i32
    return %arg0, %c0_i32 : i32, i32
  }
}

module attributes {stable_mosaic.version = 14 : i64} {
  func.func @_pass3_body(%arg0: i32, %arg1: memref<256x8192xf32, #tpu.memory_space<vmem>>, %arg2: memref<256x8xf32, #tpu.memory_space<vmem>>, %arg3: memref<8x128xf32, #tpu.memory_space<vmem>>, %arg4: memref<256x6400xf32, #tpu.memory_space<vmem>>) attributes {dimension_semantics = [#tpu.dimension_semantics<arbitrary>], iteration_bounds = array<i64: 1>, scalar_prefetch = 0 : i64, scratch_operands = 1 : i64, tpu.core_type = #tpu.core_type<tc>, window_params = [{transform_indices = @transform_0, window_bounds = array<i64: 256, 8192>}, {transform_indices = @transform_1, window_bounds = array<i64: 256, 8>}, {pipeline_mode = #tpu.pipeline_mode<synchronous>, transform_indices = @transform_2, window_bounds = array<i64: 8, 128>}]} {
    %get3A = arith.constant 0 : index
    %get3A_0 = arith.constant 0 : index
    %get3A_1 = vector.load %arg1[%get3A, %get3A_0] : memref<256x8192xf32, #tpu.memory_space<vmem>>, vector<256x6400xf32>
    %swap3A = arith.constant 0 : index
    %swap3A_2 = arith.constant 0 : index
    %swap3A_3 = vector.load %arg4[%swap3A, %swap3A_2] : memref<256x6400xf32, #tpu.memory_space<vmem>>, vector<256x6400xf32>
    tpu.vector_store %arg4[%swap3A, %swap3A_2], %get3A_1 {strides = array<i32>} : memref<256x6400xf32, #tpu.memory_space<vmem>>, vector<256x6400xf32>,
    %reduce_max3A = arith.constant dense<0xFF800000> : vector<256xf32>
    %reduce_max3A_4 = vector.multi_reduction <maximumf>, %get3A_1, %reduce_max3A [1] : vector<256x6400xf32> to vector<256xf32>
    %broadcast_in_dim3A = vector.shape_cast %reduce_max3A_4 : vector<256xf32> to vector<256x1xf32>
    %broadcast_in_dim3A_5 = arith.constant 0.000000e+00 : f32
    %broadcast_in_dim3A_6 = vector.broadcast %broadcast_in_dim3A_5 : f32 to vector<256x1xf32>
    %scan3A = arith.constant 0 : i32
    %scan3A_7 = arith.constant 50 : i32
    %scan3A_8 = arith.addi %scan3A, %scan3A_7 : i32
    %scan3A_9 = arith.constant 1 : i32
    %scan3A_10 = scf.for %scan3A_50 = %scan3A to %scan3A_8 step %scan3A_9 iter_args(%scan3A_51 = %broadcast_in_dim3A_6) -> (vector<256x1xf32>)  : i32 {
      %get3A_52 = arith.constant 0 : index
      %get3A_53 = arith.constant 0 : index
      %get3A_54 = vector.load %arg4[%get3A_52, %get3A_53] : memref<256x6400xf32, #tpu.memory_space<vmem>>, vector<256x6400xf32>
      %reduce_max3A_55 = arith.constant dense<0xFF800000> : vector<256xf32>
      %reduce_max3A_56 = vector.multi_reduction <maximumf>, %get3A_54, %reduce_max3A_55 [1] : vector<256x6400xf32> to vector<256xf32>
      %broadcast_in_dim3A_57 = vector.shape_cast %reduce_max3A_56 : vector<256xf32> to vector<256x1xf32>
      %eq3A_58 = vector.broadcast %broadcast_in_dim3A_57 : vector<256x1xf32> to vector<256x6400xf32>
      %eq3A_59 = arith.cmpf oeq, %get3A_54, %eq3A_58 : vector<256x6400xf32>
      %jit3A_60 = arith.constant -3.000000e+38 : f32
      %broadcast_in_dim3A_61 = vector.broadcast %jit3A_60 : f32 to vector<256x6400xf32>
      %select_n3A_62 = arith.select %eq3A_59, %broadcast_in_dim3A_61, %get3A_54 : vector<256x6400xi1>, vector<256x6400xf32>
      %swap3A_63 = arith.constant 0 : index
      %swap3A_64 = arith.constant 0 : index
      %swap3A_65 = vector.load %arg4[%swap3A_63, %swap3A_64] : memref<256x6400xf32, #tpu.memory_space<vmem>>, vector<256x6400xf32>
      tpu.vector_store %arg4[%swap3A_63, %swap3A_64], %select_n3A_62 {strides = array<i32>} : memref<256x6400xf32, #tpu.memory_space<vmem>>, vector<256x6400xf32>,
      %sub3A_66 = arith.subf %broadcast_in_dim3A_57, %broadcast_in_dim3A : vector<256x1xf32>
      %exp3A_67 = math.exp %sub3A_66 : vector<256x1xf32>
      %add3A_68 = arith.addf %scan3A_51, %exp3A_67 : vector<256x1xf32>
      scf.yield %add3A_68 : vector<256x1xf32>
    }
    %get3A_11 = arith.constant 0 : index
    %get3A_12 = arith.constant 0 : index
    %get3A_13 = vector.load %arg2[%get3A_11, %get3A_12] : memref<256x8xf32, #tpu.memory_space<vmem>>, vector<256x1xf32>
    %get3A_14 = arith.constant 0 : index
    %get3A_15 = arith.constant 1 : index
    %get3A_16 = vector.load %arg2[%get3A_14, %get3A_15] : memref<256x8xf32, #tpu.memory_space<vmem>>, vector<256x1xf32>
    %get3A_17 = arith.constant 0 : index
    %get3A_18 = arith.constant 2 : index
    %get3A_19 = vector.load %arg2[%get3A_17, %get3A_18] : memref<256x8xf32, #tpu.memory_space<vmem>>, vector<256x1xf32>
    %get3A_20 = arith.constant 0 : index
    %get3A_21 = arith.constant 3 : index
    %get3A_22 = vector.load %arg2[%get3A_20, %get3A_21] : memref<256x8xf32, #tpu.memory_space<vmem>>, vector<256x1xf32>
    %max3A = arith.maximumf %get3A_13, %broadcast_in_dim3A : vector<256x1xf32>
    %sub3A = arith.subf %get3A_13, %max3A : vector<256x1xf32>
    %exp3A = math.exp %sub3A : vector<256x1xf32>
    %mul3A = arith.mulf %get3A_16, %exp3A : vector<256x1xf32>
    %sub3A_23 = arith.subf %broadcast_in_dim3A, %max3A : vector<256x1xf32>
    %exp3A_24 = math.exp %sub3A_23 : vector<256x1xf32>
    %mul3A_25 = arith.mulf %scan3A_10, %exp3A_24 : vector<256x1xf32>
    %add3A = arith.addf %mul3A, %mul3A_25 : vector<256x1xf32>
    %log3A = math.log %add3A : vector<256x1xf32>
    %add3A_26 = arith.addf %max3A, %log3A : vector<256x1xf32>
    %max3A_27 = arith.constant 1.000000e+00 : f32
    %max3A_28 = vector.broadcast %max3A_27 : f32 to vector<256x1xf32>
    %max3A_29 = arith.maximumf %get3A_22, %max3A_28 : vector<256x1xf32>
    %div3A = arith.divf %get3A_19, %max3A_29 : vector<256x1xf32>
    %gt3A = arith.constant 0.000000e+00 : f32
    %gt3A_30 = vector.broadcast %gt3A : f32 to vector<256x1xf32>
    %gt3A_31 = arith.cmpf ogt, %get3A_22, %gt3A_30 : vector<256x1xf32>
    %sub3A_32 = arith.subf %add3A_26, %div3A : vector<256x1xf32>
    %jit3A = arith.constant 0.000000e+00 : f32
    %broadcast_in_dim3A_33 = vector.broadcast %jit3A : f32 to vector<256x1xf32>
    %select_n3A = arith.select %gt3A_31, %sub3A_32, %broadcast_in_dim3A_33 : vector<256x1xi1>, vector<256x1xf32>
    %reduce_sum3A = vector.shape_cast %select_n3A : vector<256x1xf32> to vector<1x256x1xf32>
    %reduce_sum3A_34 = arith.constant dense<0.000000e+00> : vector<1xf32>
    %reduce_sum3A_35 = vector.multi_reduction <add>, %reduce_sum3A, %reduce_sum3A_34 [1, 2] : vector<1x256x1xf32> to vector<1xf32>
    %reduce_sum3A_36 = vector.shape_cast %reduce_sum3A_35 : vector<1xf32> to vector<1x1x1xf32>
    %reduce_sum3A_37 = vector.extract %reduce_sum3A_36[0, 0, 0] : f32 from vector<1x1x1xf32>
    %mul3A_38 = arith.constant 9.765625E-4 : f32
    %mul3A_39 = arith.mulf %reduce_sum3A_37, %mul3A_38 : f32
    %eq3A = arith.constant 0 : i32
    %eq3A_40 = arith.cmpi eq, %arg0, %eq3A : i32
    %convert_element_type3A = arith.extui %eq3A_40 : i1 to i32
    %cond3A = arith.constant 0 : i32
    %cond3A_41 = arith.cmpi ne, %convert_element_type3A, %cond3A : i32
    scf.if %cond3A_41 {
      %broadcast_in_dim3A_50 = arith.constant 0.000000e+00 : f32
      %broadcast_in_dim3A_51 = vector.broadcast %broadcast_in_dim3A_50 : f32 to vector<8x128xf32>
      %swap3A_52 = arith.constant 0 : index
      %swap3A_53 = arith.constant 0 : index
      %swap3A_54 = vector.load %arg3[%swap3A_52, %swap3A_53] : memref<8x128xf32, #tpu.memory_space<vmem>>, vector<8x128xf32>
      tpu.vector_store %arg3[%swap3A_52, %swap3A_53], %broadcast_in_dim3A_51 {strides = array<i32>} : memref<8x128xf32, #tpu.memory_space<vmem>>, vector<8x128xf32>,
    } else {
    }
    %get3A_42 = arith.constant 0 : index
    %get3A_43 = arith.constant 0 : index
    %get3A_44 = vector.load %arg3[%get3A_42, %get3A_43] : memref<8x128xf32, #tpu.memory_space<vmem>>, vector<8x128xf32>
    %broadcast_in_dim3A_45 = vector.broadcast %mul3A_39 : f32 to vector<8x128xf32>
    %add3A_46 = arith.addf %get3A_44, %broadcast_in_dim3A_45 : vector<8x128xf32>
    %swap3A_47 = arith.constant 0 : index
    %swap3A_48 = arith.constant 0 : index
    %swap3A_49 = vector.load %arg3[%swap3A_47, %swap3A_48] : memref<8x128xf32, #tpu.memory_space<vmem>>, vector<8x128xf32>
    tpu.vector_store %arg3[%swap3A_47, %swap3A_48], %add3A_46 {strides = array<i32>} : memref<8x128xf32, #tpu.memory_space<vmem>>, vector<8x128xf32>,
    return
  }
  func.func @transform_0(%arg0: i32) -> (i32, i32) {
    %c0_i32 = arith.constant 0 : i32
    %c0_i32_0 = arith.constant 0 : i32
    return %arg0, %c0_i32 : i32, i32
  }
  func.func @transform_1(%arg0: i32) -> (i32, i32) {
    %c0_i32 = arith.constant 0 : i32
    %c0_i32_0 = arith.constant 0 : i32
    return %arg0, %c0_i32 : i32, i32
  }
  func.func @transform_2(%arg0: i32) -> (i32, i32) {
    %c0_i32 = arith.constant 0 : i32
    %c0_i32_0 = arith.constant 0 : i32
    %c0_i32_1 = arith.constant 0 : i32
    return %c0_i32, %c0_i32_0 : i32, i32
  }
}

</mosaic_0001>

<sc_bundles>
// kernel: kernel.18.cloned.1.call-start
scs
__scs_entry_jumppad:
0x0: {  	(pc) =	sbr.rel $0x88, $3  }
0x1: {  	(tag) =	ssettag $0x0;
	lr =	simm.s32 $0x1  }
0x2: {  	[smem:$0x3F9B] =	sst lr;
	_ =	strace $0xD0000000  }
0x3: {  	_ = 	snop  }
0x4: {  	_ = 	snop  }
0x5: {  	_ = 	snop  }
0x6: {  	_ = 	snop  }
0x7: {  	_ = 	snop  }
__scs_overlays_trampoline_lowered:
0x8: {  	[smem:$0x3FAA] =	sst s0  }
0x9: {  	[smem:$0x3FAB] =	sst s1  }
0xa: {  	[smem:$0x3FAC] =	sst s2  }
0xb: {  	[smem:$0x3FAD] =	sst s3  }
0xc: {  	[smem:$0x3FAE] =	sst s4  }
0xd: {  	[smem:$0x3FAF] =	sst s5  }
0xe: {  	[smem:$0x3FB0] =	sst s6  }
0xf: {  	[smem:$0x3FB1] =	sst s7  }
0x10: {  	[smem:$0x3FB2] =	sst s8  }
0x11: {  	[smem:$0x3FB3] =	sst s9;
	s0 =	simm.s32 @!p0 $0x0  }
0x12: {  	s1 =	sld [smem:$0x3F99];
	s0 =	simm.s32 @p0 $0x1  }
0x13: {  	[smem:$0x3FB4] =	sst s0;
	s0 =	simm.s32 @!p1 $0x0  }
0x14: {  	s2 =	sld [smem:$0x3F98];
	s0 =	simm.s32 @p1 $0x1  }
0x15: {  	[smem:$0x3FB5] =	sst s0;
	s0 =	simm.s32 @!p2 $0x0  }
0x16: {  	s3 =	sld [smem:$0x3FDB];
	s0 =	simm.s32 @p2 $0x1  }
0x17: {  	s4 =	simm.s32 $0x1BF5;
	[smem:$0x3FB7] =	sst s0  }
0x18: {  	s0 =	sld [smem:$0x3F9A];
	_ =	swait.ge [sflag:s4], $0x0  }
0x19: {  	s7 =	sld [smem:$0x3F9B]  }
0x1a: {  	s8 =	sadd.s32 $0xFFFFE003, lr  }
0x1b: {  	s9 =	sadd.s32 $0xFFFFFEF7, lr;
	s5 =	simm.s32 $0xFFFFFFFF;
	p2 =	slt.u32 s8, $0xFFFFF086  }
0x1c: {  	p1 =	slt.u32 s9, $0xF7A;
	s5 =	simm.s32 @!p2 $0x0  }
0x1d: {  	s5 =	simm.s32 @p1 $0x1;
	p0 =	seq.s32 s7, s2  }
0x1e: {  	s7 =	smul.u32 @!p0 $0xF7A, s2;
	p2 =	seq.s32 @!p0 s5, $0x0  }
0x1f: {  	s9 =	smul.u32 $0xF7A, s1;
	s8 =	simm.s32 @!p0 $0x1BF5;
	p2 =	por !p2, p0  }
0x20: {  	[sflag:s8] =	ssyncset.s32 @!p0 $0xFFFFF086;
	s6 =	sadd.s32 @!p0 s3, s7;
	s7 =	simm.s32 @!p0 $0x108  }
0x21: {  	s3 =	sadd.s32 s3, s9;
	s6 =	sadd.s32 @!p0 $0x88, s6;
	s7 =	simm.s32 @p2 $0x1082  }
0x22: {  	[simem:s7], [sflag:s8] =	dma.local @!p0 [hbm:s6], $0xF7A  }
0x23: {  	s9 =	sor.u32 $0xD0000000, s2;
	s6 =	simm.s32 $0x108;
	_ =	swait.ge @!p0 [sflag:s8], $0x0  }
0x24: {  	s3 =	sadd.s32 $0x88, s3;
	s6 =	simm.s32 @!p1 $0x1082;
	[sflag:s4] =	ssyncset.s32 $0xFFFFF086  }
0x25: {  	[simem:s6], [sflag:s4] =	dma.local [hbm:s3], $0xF7A  }
0x26: {  	[smem:$0x3F9B] =	sst s1;
	(tag) =	ssettag s2;
	_ =	strace s9  }
0x27: {  	s1 =	sld [smem:$0x3FAB]  }
0x28: {  	s2 =	sld [smem:$0x3FAC]  }
0x29: {  	s4 =	sld [smem:$0x3FAE]  }
0x2a: {  	p0 =	seq.s32 s5, $0x0;
	s5 =	sld [smem:$0x3FAF]  }
0x2b: {  	s6 =	sld [smem:$0x3FB0]  }
0x2c: {  	s7 =	sld [smem:$0x3FB1]  }
0x2d: {  	s3 =	simm.s32 $0x108;
	s8 =	sld [smem:$0x3FB2]  }
0x2e: {  	s3 =	simm.s32 @!p0 $0x1082;
	s9 =	sld [smem:$0x3FB3]  }
0x2f: {  	lr =	sadd.s32 s0, s3;
	s0 =	sld [smem:$0x3FAA]  }
0x30: {  	s3 =	sld [smem:$0x3FAD]  }
0x31: {  	[smem:$0x3FB6] =	sst s10  }
0x32: {  	s10 =	sld [smem:$0x3FB4];
	_ =	sdelay $0x3  }
0x33: {  	p0 =	seq.s32 s10, $0x1;
	s10 =	sld [smem:$0x3FB6];
	_ =	sdelay $0x3  }
0x34: {  	[smem:$0x3FB6] =	sst s10  }
0x35: {  	s10 =	sld [smem:$0x3FB5];
	_ =	sdelay $0x3  }
0x36: {  	p1 =	seq.s32 s10, $0x1;
	s10 =	sld [smem:$0x3FB6];
	_ =	sdelay $0x3  }
0x37: {  	[smem:$0x3FB6] =	sst s10  }
0x38: {  	s10 =	sld [smem:$0x3FB7]  }
0x39: {  	_ = 	snop;
	(pc) =	sbr.ind lr, $3  }
0x3a: {  	_ = 	snop  }
0x3b: {  	_ = 	snop  }
0x3c: {  	p2 =	seq.s32 s10, $0x1;
	s10 =	sld [smem:$0x3FB6]  }
0x3d: {  	_ =	shalt  }
0x3e: {  	_ =	shalt  }
0x3f: {  	_ =	shalt  }
0x40: {  	_ =	shalt  }
0x41: {  	_ =	shalt  }
0x42: {  	_ =	shalt  }
0x43: {  	_ =	shalt  }
0x44: {  	_ =	shalt  }
0x45: {  	_ =	shalt  }
0x46: {  	_ =	shalt  }
0x47: {  	_ =	shalt  }
0x48: {  	_ =	shalt  }
0x49: {  	_ =	shalt  }
0x4a: {  	_ =	shalt  }
0x4b: {  	_ =	shalt  }
0x4c: {  	_ =	shalt  }
0x4d: {  	_ =	shalt  }
0x4e: {  	_ =	shalt  }
0x4f: {  	_ =	shalt  }
0x50: {  	_ =	shalt  }
0x51: {  	_ =	shalt  }
0x52: {  	_ =	shalt  }
0x53: {  	_ =	shalt  }
0x54: {  	_ =	shalt  }
0x55: {  	_ =	shalt  }
0x56: {  	_ =	shalt  }
0x57: {  	_ =	shalt  }
0x58: {  	_ =	shalt  }
0x59: {  	_ =	shalt  }
0x5a: {  	_ =	shalt  }
0x5b: {  	_ =	shalt  }
0x5c: {  	_ =	shalt  }
0x5d: {  	_ =	shalt  }
0x5e: {  	_ =	shalt  }
0x5f: {  	_ =	shalt  }
0x60: {  	_ =	shalt  }
0x61: {  	_ =	shalt  }
0x62: {  	_ =	shalt  }
0x63: {  	_ =	shalt  }
0x64: {  	_ =	shalt  }
0x65: {  	_ =	shalt  }
0x66: {  	_ =	shalt  }
0x67: {  	_ =	shalt  }
0x68: {  	_ =	shalt  }
0x69: {  	_ =	shalt  }
0x6a: {  	_ =	shalt  }
0x6b: {  	_ =	shalt  }
0x6c: {  	_ =	shalt  }
0x6d: {  	_ =	shalt  }
0x6e: {  	_ =	shalt  }
0x6f: {  	_ =	shalt  }
0x70: {  	_ =	shalt  }
0x71: {  	_ =	shalt  }
0x72: {  	_ =	shalt  }
0x73: {  	_ =	shalt  }
0x74: {  	_ =	shalt  }
0x75: {  	_ =	shalt  }
0x76: {  	_ =	shalt  }
0x77: {  	_ =	shalt  }
0x78: {  	_ =	shalt  }
0x79: {  	_ =	shalt  }
0x7a: {  	_ =	shalt  }
0x7b: {  	_ =	shalt  }
0x7c: {  	_ =	shalt  }
0x7d: {  	_ =	shalt  }
0x7e: {  	_ =	shalt  }
0x7f: {  	_ =	shalt  }
0x80: {  	_ =	shalt  }
0x81: {  	_ =	shalt  }
0x82: {  	_ =	shalt  }
0x83: {  	_ =	shalt  }
0x84: {  	_ =	shalt  }
0x85: {  	_ =	shalt  }
0x86: {  	_ =	shalt  }
0x87: {  	_ =	shalt  }
.Lfunc_end0:
.L_simem_size_0:
called_computation_lowered:
.L_overlay_start_0:
0x88: {  	s2 =	sld [smem:$0x3FD9]  }
0x89: {  	s3 =	sld [smem:$0x3FFE];
	_ =	sdelay $0x1  }
0x8a: {  	s1 =	srdreg.scid  }
0x8b: {  	s0 =	sand.u32 $0x1, s1  }
0x8c: {  	s17 =	sshll.u32 s0, $0xA;
	s2 =	sadd.s32 s3, s2  }
0x8d: {  	s2 =	sadd.s32 s2, s17  }
0x8e: {  	[smem:$0x3FC2] =	sst s2  }
0x8f: {  	_ = 	snop  }
0x90: {  	(tm) =	ssettm $0x1  }
0x91: {  	s18 =	sld [smem:$0x3FFB];
	_ =	sdelay $0x3  }
0x92: {  	_ =	strace s18  }
0x93: {  	s2 =	sld [smem:$0x3FFC];
	_ =	sdelay $0x3  }
0x94: {  	_ =	strace s2  }
0x95: {  	s2 =	sld [smem:$0x3FFD];
	_ =	sdelay $0x3  }
0x96: {  	_ =	strace s2  }
0x97: {  	_ =	strace $0x8FFFFFFF  }
0x98: {  	s19 =	sld [smem:$0x3FDB];
	_ =	sdelay $0x1  }
0x99: {  	s20 =	simm.s32 $_scs_section_size  }
0x9a: {  	s4 =	simm.s32 $_size__tile_overlayer_lowered;
	s5 =	simm.s32 $_tile_overlayer_lowered  }
0x9b: {  	s6 =	simm.s32 $0x1BFF;
	s21 =	sshll.u32 s5, $0x1;
	s3 =	sadd.s32 s20, s19  }
0x9c: {  	s22 =	simm.s32 $0x0;
	s4 =	sshll.u32 s4, $0x1;
	s5 =	sadd.s32 s21, s3  }
0x9d: {  	[timem:s22], [sflag:s6] =	dma.local [hbm:s5], s4  }
0x9e: {  	_ =	swait.ge [sflag:s6], s4  }
0x9f: {  	s4 =	ssub.s32 $0x0, s4;
	[sflag:s6] =	ssyncset.done $0x0  }
0xa0: {  	[sflag:s6] =	ssyncadd.s32 s4;
	_ =	sdelay $0x1  }
0xa1: {  	s23 =	simm.s32 $0x1B8B  }
0xa2: {  	_ =	swait.ge [sflag:s23], $0x1  }
0xa3: {  	[sflag:s23] =	ssyncset.done $0x0  }
0xa4: {  	[sflag:s23] =	ssyncadd.s32 $0xFFFFFFFF  }
0xa5: {  	s4 =	sld [smem:$0x0]  }
0xa6: {  	s5 =	sand.u32 $0xFFFFFFFE, s1  }
0xa7: {  	p0 =	sne.s32 s1, s5  }
0xa8: {  	s5 =	sshll.u32 @p0 s5, $0xE  }
0xa9: {  	s5 =	sadd.s32 @p0 $0x11B8D, s5;
	s6 =	sshll.u32 @p0 s4, $0x11  }
0xaa: {  	s5 =	sor.u32 @p0 s6, s5  }
0xab: {  	[sflag:s5] =	ssyncadd.remote.s32 @p0 $0x1;
	_ =	sdelay $0x1  }
0xac: {  	s5 =	simm.s32 @p0 $0x1B8D  }
0xad: {  	_ =	swait.eq @p0 [sflag:s5], $0x1  }
0xae: {  	[sflag:s5] =	ssyncadd.s32 @p0 $0xFFFFFFFF  }
0xaf: {  	s6 =	sshll.u32 @!p0 s1, $0xE  }
0xb0: {  	s6 =	sor.u32 @!p0 $0x4000, s6;
	s5 =	simm.s32 @!p0 $0x1B8D  }
0xb1: {  	s4 =	sshll.u32 @!p0 s4, $0x11;
	s6 =	sadd.s32 @!p0 $0x11B8D, s6;
	_ =	swait.eq @!p0 [sflag:s5], $0x1  }
0xb2: {  	s4 =	sor.u32 @!p0 s4, s6;
	[sflag:s5] =	ssyncadd.s32 @!p0 $0xFFFFFFFF  }
0xb3: {  	s25 =	simm.s32 $0x1B8E;
	s24 =	sld [smem:$0x3FFE];
	[sflag:s4] =	ssyncadd.remote.s32 @!p0 $0x1  }
0xb4: {  	s26 =	simm.s32 $execute0_lowered;
	[smem:$0x3FD2] =	sst s25  }
0xb5: {  	s5 =	sshll.u32 s26, $0x1;
	_ =	strace $0x80000049;
	[dreg:$0x1] =	wrdreg $0xFFFFFFFF  }
0xb6: {  	s28 =	simm.s32 $_size_execute0_lowered;
	s3 =	sadd.s32 s3, s5;
	[dreg:$0x0] =	wrdreg $0x0  }
0xb7: {  	s5 =	sshll.u32 s28, $0x1;
	[dreg:$0x2] =	wrdreg s3  }
0xb8: {  	[dreg:$0x3] =	wrdreg s5  }
0xb9: {  	[dreg:$0x4] =	wrdreg $0xC0  }
0xba: {  	_ =	task [dreg:s22], $0x5FFFF  }
0xbb: {  	[dreg:$0x1] =	wrdreg $0xFFFFFFFF  }
0xbc: {  	[dreg:$0x0] =	wrdreg $0x60  }
0xbd: {  	[dreg:$0x2] =	wrdreg s24  }
0xbe: {  	[dreg:$0x3] =	wrdreg $0x9  }
0xbf: {  	_ =	task.clear_ibuf [dreg:s22], $0x4FFFF;
	_ =	strace $0x90000049  }
0xc0: {  	s29 =	simm.s32 $0x9;
	_ =	strace $0x8000004B  }
0xc1: {  	_ =	swait.ge [sflag:s29], $0x1  }
0xc2: {  	[sflag:s29] =	ssyncadd.s32 $0xFFFFFFFF  }
0xc3: {  	_ =	strace $0x9000004B  }
0xc4: {  	_ =	sfence  }
0xc5: {  	s30 =	sld [smem:$0x0];
	_ =	sdelay $0x2  }
0xc6: {  	s31 =	sshll.u32 s1, $0xD;
	s1 =	sshrl.u32 s1, $0x2  }
0xc7: {  	s4 =	sand.u32 $0x4000, s31;
	s1 =	sadd.s32 s1, s30  }
0xc8: {  	s0 =	sor.u32 s4, s0;
	s1 =	sshll.u32 s1, $0x11  }
0xc9: {  	s0 =	sor.u32 s1, s0  }
0xca: {  	s0 =	sadd.s32 $0x8F2B, s0  }
0xcb: {  	[sflag:s0] =	ssyncadd.remote.s32 $0x1  }
0xcc: {  	_ =	sfence.sel $0xFFFF  }
0xcd: {  	[dreg:$0x0] =	wrdreg $0xFFFFFFFF;
	(pc) =	sbr.abs _section_cstart, $3  }
0xce: {  	[dreg:$0x1] =	wrdreg $0xFFFFFFFF  }
0xcf: {  	_ =	task.clear_ibuf [dreg:s22], $0x2FFFF;
	_ =	strace $0x9FFFFFFF  }
0xd0: {  	(tm) =	ssettm $0x7FFFFFFF  }
0xd1: {  	_ =	shalt  }
tec
execute0_lowered:
.L_overlay_start_1:
0x0: {  	(tag) =	ssettag $0x1  }
0x1: {  	s1 =	srdreg.scid  }
0x2: {  	s0 =	stileid.u32;
	s16 =	sand.u32 $0x1, s1  }
0x3: {  	s30 =	sshll.u32 s0, $0xA;
	s2 =	sshll.u32 s16, $0x9  }
0x4: {  	s14 =	rddreg [dreg:$0x0];
	s15 =	sor.u32 s2, s30  }
0x5: {  	s1 =	rddreg [dreg:$0x1];
	s2 =	simm.s32 $0x0;
	s3 =	sshrl.u32 s15, $0x3  }
0x6: {  	[smem:$0x7FF] =	sst s2;
	s3 =	sadd.s32 s3, s14  }
0x7: {  	_ =	strace $0x8000004A;
	s4 =	sadd.s32 $0x818600, s3;
	s3 =	simm.s32 $0x3  }
0x8: {  	[tilespmem:s2], [sflag:$0x3] =	stream.linear.gather [hbm4b:s4+s2], $0x200, $0x38;
	[tilespmem:$0x10200] =	vst v63  }
0x9: {  	_ =	swait.ge [sflag:s3], $0x200  }
0xa: {  	s6 =	simm.s32 $0x80;
	[sflag:s3] =	ssyncset.done $0x0  }
0xb: {  	s7 =	simm.s32 $0x200;
	s5 =	sadd.s32 $0x4F7600, s14;
	[sflag:s3] =	ssyncadd.s32 $0xFFFFFE00  }
0xc: {  	[tilespmem:s7], [sflag:$0x1] =	stream.indirect.gather [hbm4b:s5+s6], $0x80, s2, s6, $0xb8;
	[tilespmem:$0x10200] =	vst v63  }
0xd: {  	s8 =	simm.s32 $0x4200  }
0xe: {  	[tilespmem:s8], [sflag:$0x1] =	stream.indirect.gather [hbm4b:s5+s6], $0x80, s6, s6, $0xb8;
	[tilespmem:$0x10200] =	vst v63  }
0xf: {  	s9 =	simm.s32 $0x100;
	s10 =	simm.s32 $0x8200  }
0x10: {  	[tilespmem:s10], [sflag:$0x2] =	stream.indirect.gather [hbm4b:s5+s6], $0x80, s9, s6, $0xb8;
	[tilespmem:$0x10200] =	vst v63  }
0x11: {  	s11 =	simm.s32 $0x180;
	s12 =	simm.s32 $0xC200;
	s13 =	simm.s32 $0x1  }
0x12: {  	[tilespmem:s12], [sflag:$0x2] =	stream.indirect.gather [hbm4b:s5+s6], $0x80, s11, s6, $0xb8;
	[tilespmem:$0x10200] =	vst v63  }
0x13: {  	_ =	swait.ge [sflag:s13], $0x4000  }
0x14: {  	[sflag:s13] =	ssyncset.done $0x0  }
0x15: {  	[sflag:s13] =	ssyncadd.s32 $0xFFFFC000  }
0x16: {  	s15 =	sshll.u32 s15, $0x4;
	_ =	swait.ge [sflag:s13], $0x4000  }
0x17: {  	s17 =	sadd.s32 s15, s14;
	[sflag:s13] =	ssyncset.done $0x0  }
0x18: {  	s14 =	sadd.s32 $0x818E00, s17;
	[sflag:s13] =	ssyncadd.s32 $0xFFFFC000  }
0x19: {  	[hbm4b:s14+s2] =	stream.linear.scatter [tilespmem:s7], [sflag:$0x3], $0x8000, $0x38;
	[tilespmem:$0x10200] =	vst v63  }
0x1a: {  	_ =	swait.ge [sflag:s3], $0x8000  }
0x1b: {  	[sflag:s3] =	ssyncset.done $0x0  }
0x1c: {  	s16 =	ssub.s32 $0x2, s16;
	s15 =	simm.s32 $0x2;
	[sflag:s3] =	ssyncadd.s32 $0xFFFF8000  }
0x1d: {  	s18 =	sshrl.u32 s16, $0x1;
	_ =	swait.ge [sflag:s15], $0x4000  }
0x1e: {  	s18 =	ssub.s32 s16, s18;
	[sflag:s15] =	ssyncset.done $0x0  }
0x1f: {  	s31 =	smax.u32 s18, $0x1;
	[sflag:s15] =	ssyncadd.s32 $0xFFFFC000  }
0x20: {  	p0 =	sne.s32 s31, $0x1;
	_ =	swait.ge [sflag:s15], $0x4000  }
.Ltmp0:
0x21: {  	[sflag:s15] =	ssyncset.done $0x0;
	(pc) =	sbr.rel @!p0 .LBB2_2-.Ltmp0, $4  }
0x22: {  	s16 =	sadd.s32 $0x819E00, s17;
	[sflag:s15] =	ssyncadd.s32 $0xFFFFC000  }
0x23: {  	[hbm4b:s16+s2] =	stream.linear.scatter [tilespmem:s10], [sflag:$0x3], $0x8000, $0x38;
	[tilespmem:$0x10200] =	vst v63  }
0x24: {  	_ =	swait.ge [sflag:s3], $0x8000  }
0x25: {  	s17 =	sadd.s32 $0xFFFFFFFF, s31;
	[sflag:s3] =	ssyncset.done $0x0  }
.LBB2_1:
0x26: {  	p0 =	sne.s32 s17, $0x1;
	s17 =	sadd.s32 $0xFFFFFFFF, s17;
	[sflag:s3] =	ssyncadd.s32 $0xFFFF8000  }
0x27: {  	[tilespmem:s2], [sflag:$0x3] =	stream.linear.gather [hbm4b:s4+s2], $0x200, $0x38;
	[tilespmem:$0x10200] =	vst v63  }
0x28: {  	_ =	swait.ge [sflag:s3], $0x200  }
0x29: {  	[sflag:s3] =	ssyncset.done $0x0  }
0x2a: {  	[sflag:s3] =	ssyncadd.s32 $0xFFFFFE00  }
0x2b: {  	[tilespmem:s7], [sflag:$0x1] =	stream.indirect.gather [hbm4b:s5+s6], $0x80, s2, s6, $0xb8;
	[tilespmem:$0x10200] =	vst v63  }
0x2c: {  	_ = 	snop  }
0x2d: {  	[tilespmem:s8], [sflag:$0x1] =	stream.indirect.gather [hbm4b:s5+s6], $0x80, s6, s6, $0xb8;
	[tilespmem:$0x10200] =	vst v63  }
0x2e: {  	_ = 	snop  }
0x2f: {  	[tilespmem:s10], [sflag:$0x2] =	stream.indirect.gather [hbm4b:s5+s6], $0x80, s9, s6, $0xb8;
	[tilespmem:$0x10200] =	vst v63  }
0x30: {  	_ = 	snop  }
0x31: {  	[tilespmem:s12], [sflag:$0x2] =	stream.indirect.gather [hbm4b:s5+s6], $0x80, s11, s6, $0xb8;
	[tilespmem:$0x10200] =	vst v63  }
0x32: {  	_ =	swait.ge [sflag:s13], $0x4000  }
0x33: {  	[sflag:s13] =	ssyncset.done $0x0  }
0x34: {  	[sflag:s13] =	ssyncadd.s32 $0xFFFFC000  }
0x35: {  	_ =	swait.ge [sflag:s13], $0x4000  }
0x36: {  	[sflag:s13] =	ssyncset.done $0x0  }
0x37: {  	[sflag:s13] =	ssyncadd.s32 $0xFFFFC000  }
0x38: {  	[hbm4b:s14+s2] =	stream.linear.scatter [tilespmem:s7], [sflag:$0x3], $0x8000, $0x38;
	[tilespmem:$0x10200] =	vst v63  }
0x39: {  	_ =	swait.ge [sflag:s3], $0x8000  }
0x3a: {  	[sflag:s3] =	ssyncset.done $0x0  }
0x3b: {  	[sflag:s3] =	ssyncadd.s32 $0xFFFF8000  }
0x3c: {  	_ =	swait.ge [sflag:s15], $0x4000  }
0x3d: {  	[sflag:s15] =	ssyncset.done $0x0  }
0x3e: {  	[sflag:s15] =	ssyncadd.s32 $0xFFFFC000  }
0x3f: {  	_ =	swait.ge [sflag:s15], $0x4000  }
.Ltmp1:
0x40: {  	[sflag:s15] =	ssyncset.done $0x0;
	(pc) =	sbr.rel @p0 .LBB2_1-.Ltmp1, $4  }
0x41: {  	[sflag:s15] =	ssyncadd.s32 $0xFFFFC000  }
0x42: {  	[hbm4b:s16+s2] =	stream.linear.scatter [tilespmem:s10], [sflag:$0x3], $0x8000, $0x38;
	[tilespmem:$0x10200] =	vst v63  }
0x43: {  	_ =	swait.ge [sflag:s3], $0x8000  }
0x44: {  	[sflag:s3] =	ssyncset.done $0x0  }
.LBB2_2:
0x45: {  	[sflag:s3] =	ssyncadd.s32 $0xFFFF8000  }
0x46: {  	_ =	sfence.sel $0x180000  }
0x47: {  	[bflag:$0x0] =	sbarrier.arrive $0xFFFF  }
0x48: {  	p0 =	sne.s32 s0, $0x0;
	_ =	strace $0x9000004A  }
0x49: {  	s0 =	sadd.s32 @!p0 $0x100000, s1;
	[bflag:$0x2] =	sbarrier.arrive $0xFFFF  }
0x4a: {  	[sflag:s0] =	ssyncadd.tile.s32 @!p0 $0x1;
	_ =	shalt  }
.Lfunc_end2:
_tile_overlayer_lowered:
.L_overlay_start_2:
0x4b: {  	(tag) =	ssettag $0x2  }
0x4c: {  	s0 =	rddreg [dreg:$0x0];
	s2 =	stileid.u32  }
0x4d: {  	s1 =	rddreg [dreg:$0x1];
	p0 =	sne.s32 s2, $0x0  }
0x4e: {  	s3 =	rddreg [dreg:$0x2];
	[bflag:$0x3] =	sbarrier.arrive $0xFFFF;
	s2 =	simm.s32 @!p0 $0x1C03  }
0x4f: {  	[timem:s3], [sflag:s2] =	dma.local @!p0 [hbm:s0], s1  }
0x50: {  	s0 =	simm.s32 @!p0 $0x3  }
0x51: {  	_ =	swait.ge @!p0 [sflag:s0], s1  }
0x52: {  	s1 =	ssub.s32 @!p0 $0x0, s1;
	[sflag:s0] =	ssyncset.done @!p0 $0x0  }
0x53: {  	[sflag:s0] =	ssyncadd.s32 @!p0 s1  }
0x54: {  	[bflag:$0x3] =	sbarrier.arrive $0xFFFF  }
0x55: {  	_ =	shalt  }

// kernel: kernel.21.cloned.1.call-start
scs
__scs_entry_jumppad:
0x0: {  	(pc) =	sbr.rel $0x88, $3  }
0x1: {  	(tag) =	ssettag $0x0;
	lr =	simm.s32 $0x1  }
0x2: {  	[smem:$0x3F9B] =	sst lr;
	_ =	strace $0xD0000000  }
0x3: {  	_ = 	snop  }
0x4: {  	_ = 	snop  }
0x5: {  	_ = 	snop  }
0x6: {  	_ = 	snop  }
0x7: {  	_ = 	snop  }
__scs_overlays_trampoline_lowered:
0x8: {  	[smem:$0x3FAA] =	sst s0  }
0x9: {  	[smem:$0x3FAB] =	sst s1  }
0xa: {  	[smem:$0x3FAC] =	sst s2  }
0xb: {  	[smem:$0x3FAD] =	sst s3  }
0xc: {  	[smem:$0x3FAE] =	sst s4  }
0xd: {  	[smem:$0x3FAF] =	sst s5  }
0xe: {  	[smem:$0x3FB0] =	sst s6  }
0xf: {  	[smem:$0x3FB1] =	sst s7  }
0x10: {  	[smem:$0x3FB2] =	sst s8  }
0x11: {  	[smem:$0x3FB3] =	sst s9;
	s0 =	simm.s32 @!p0 $0x0  }
0x12: {  	s1 =	sld [smem:$0x3F99];
	s0 =	simm.s32 @p0 $0x1  }
0x13: {  	[smem:$0x3FB4] =	sst s0;
	s0 =	simm.s32 @!p1 $0x0  }
0x14: {  	s2 =	sld [smem:$0x3F98];
	s0 =	simm.s32 @p1 $0x1  }
0x15: {  	[smem:$0x3FB5] =	sst s0;
	s0 =	simm.s32 @!p2 $0x0  }
0x16: {  	s3 =	sld [smem:$0x3FDB];
	s0 =	simm.s32 @p2 $0x1  }
0x17: {  	s4 =	simm.s32 $0x1BF5;
	[smem:$0x3FB7] =	sst s0  }
0x18: {  	s0 =	sld [smem:$0x3F9A];
	_ =	swait.ge [sflag:s4], $0x0  }
0x19: {  	s7 =	sld [smem:$0x3F9B]  }
0x1a: {  	s8 =	sadd.s32 $0xFFFFE003, lr  }
0x1b: {  	s9 =	sadd.s32 $0xFFFFFEF7, lr;
	s5 =	simm.s32 $0xFFFFFFFF;
	p2 =	slt.u32 s8, $0xFFFFF086  }
0x1c: {  	p1 =	slt.u32 s9, $0xF7A;
	s5 =	simm.s32 @!p2 $0x0  }
0x1d: {  	s5 =	simm.s32 @p1 $0x1;
	p0 =	seq.s32 s7, s2  }
0x1e: {  	s7 =	smul.u32 @!p0 $0xF7A, s2;
	p2 =	seq.s32 @!p0 s5, $0x0  }
0x1f: {  	s9 =	smul.u32 $0xF7A, s1;
	s8 =	simm.s32 @!p0 $0x1BF5;
	p2 =	por !p2, p0  }
0x20: {  	[sflag:s8] =	ssyncset.s32 @!p0 $0xFFFFF086;
	s6 =	sadd.s32 @!p0 s3, s7;
	s7 =	simm.s32 @!p0 $0x108  }
0x21: {  	s3 =	sadd.s32 s3, s9;
	s6 =	sadd.s32 @!p0 $0x88, s6;
	s7 =	simm.s32 @p2 $0x1082  }
0x22: {  	[simem:s7], [sflag:s8] =	dma.local @!p0 [hbm:s6], $0xF7A  }
0x23: {  	s9 =	sor.u32 $0xD0000000, s2;
	s6 =	simm.s32 $0x108;
	_ =	swait.ge @!p0 [sflag:s8], $0x0  }
0x24: {  	s3 =	sadd.s32 $0x88, s3;
	s6 =	simm.s32 @!p1 $0x1082;
	[sflag:s4] =	ssyncset.s32 $0xFFFFF086  }
0x25: {  	[simem:s6], [sflag:s4] =	dma.local [hbm:s3], $0xF7A  }
0x26: {  	[smem:$0x3F9B] =	sst s1;
	(tag) =	ssettag s2;
	_ =	strace s9  }
0x27: {  	s1 =	sld [smem:$0x3FAB]  }
0x28: {  	s2 =	sld [smem:$0x3FAC]  }
0x29: {  	s4 =	sld [smem:$0x3FAE]  }
0x2a: {  	p0 =	seq.s32 s5, $0x0;
	s5 =	sld [smem:$0x3FAF]  }
0x2b: {  	s6 =	sld [smem:$0x3FB0]  }
0x2c: {  	s7 =	sld [smem:$0x3FB1]  }
0x2d: {  	s3 =	simm.s32 $0x108;
	s8 =	sld [smem:$0x3FB2]  }
0x2e: {  	s3 =	simm.s32 @!p0 $0x1082;
	s9 =	sld [smem:$0x3FB3]  }
0x2f: {  	lr =	sadd.s32 s0, s3;
	s0 =	sld [smem:$0x3FAA]  }
0x30: {  	s3 =	sld [smem:$0x3FAD]  }
0x31: {  	[smem:$0x3FB6] =	sst s10  }
0x32: {  	s10 =	sld [smem:$0x3FB4];
	_ =	sdelay $0x3  }
0x33: {  	p0 =	seq.s32 s10, $0x1;
	s10 =	sld [smem:$0x3FB6];
	_ =	sdelay $0x3  }
0x34: {  	[smem:$0x3FB6] =	sst s10  }
0x35: {  	s10 =	sld [smem:$0x3FB5];
	_ =	sdelay $0x3  }
0x36: {  	p1 =	seq.s32 s10, $0x1;
	s10 =	sld [smem:$0x3FB6];
	_ =	sdelay $0x3  }
0x37: {  	[smem:$0x3FB6] =	sst s10  }
0x38: {  	s10 =	sld [smem:$0x3FB7]  }
0x39: {  	_ = 	snop;
	(pc) =	sbr.ind lr, $3  }
0x3a: {  	_ = 	snop  }
0x3b: {  	_ = 	snop  }
0x3c: {  	p2 =	seq.s32 s10, $0x1;
	s10 =	sld [smem:$0x3FB6]  }
0x3d: {  	_ =	shalt  }
0x3e: {  	_ =	shalt  }
0x3f: {  	_ =	shalt  }
0x40: {  	_ =	shalt  }
0x41: {  	_ =	shalt  }
0x42: {  	_ =	shalt  }
0x43: {  	_ =	shalt  }
0x44: {  	_ =	shalt  }
0x45: {  	_ =	shalt  }
0x46: {  	_ =	shalt  }
0x47: {  	_ =	shalt  }
0x48: {  	_ =	shalt  }
0x49: {  	_ =	shalt  }
0x4a: {  	_ =	shalt  }
0x4b: {  	_ =	shalt  }
0x4c: {  	_ =	shalt  }
0x4d: {  	_ =	shalt  }
0x4e: {  	_ =	shalt  }
0x4f: {  	_ =	shalt  }
0x50: {  	_ =	shalt  }
0x51: {  	_ =	shalt  }
0x52: {  	_ =	shalt  }
0x53: {  	_ =	shalt  }
0x54: {  	_ =	shalt  }
0x55: {  	_ =	shalt  }
0x56: {  	_ =	shalt  }
0x57: {  	_ =	shalt  }
0x58: {  	_ =	shalt  }
0x59: {  	_ =	shalt  }
0x5a: {  	_ =	shalt  }
0x5b: {  	_ =	shalt  }
0x5c: {  	_ =	shalt  }
0x5d: {  	_ =	shalt  }
0x5e: {  	_ =	shalt  }
0x5f: {  	_ =	shalt  }
0x60: {  	_ =	shalt  }
0x61: {  	_ =	shalt  }
0x62: {  	_ =	shalt  }
0x63: {  	_ =	shalt  }
0x64: {  	_ =	shalt  }
0x65: {  	_ =	shalt  }
0x66: {  	_ =	shalt  }
0x67: {  	_ =	shalt  }
0x68: {  	_ =	shalt  }
0x69: {  	_ =	shalt  }
0x6a: {  	_ =	shalt  }
0x6b: {  	_ =	shalt  }
0x6c: {  	_ =	shalt  }
0x6d: {  	_ =	shalt  }
0x6e: {  	_ =	shalt  }
0x6f: {  	_ =	shalt  }
0x70: {  	_ =	shalt  }
0x71: {  	_ =	shalt  }
0x72: {  	_ =	shalt  }
0x73: {  	_ =	shalt  }
0x74: {  	_ =	shalt  }
0x75: {  	_ =	shalt  }
0x76: {  	_ =	shalt  }
0x77: {  	_ =	shalt  }
0x78: {  	_ =	shalt  }
0x79: {  	_ =	shalt  }
0x7a: {  	_ =	shalt  }
0x7b: {  	_ =	shalt  }
0x7c: {  	_ =	shalt  }
0x7d: {  	_ =	shalt  }
0x7e: {  	_ =	shalt  }
0x7f: {  	_ =	shalt  }
0x80: {  	_ =	shalt  }
0x81: {  	_ =	shalt  }
0x82: {  	_ =	shalt  }
0x83: {  	_ =	shalt  }
0x84: {  	_ =	shalt  }
0x85: {  	_ =	shalt  }
0x86: {  	_ =	shalt  }
0x87: {  	_ =	shalt  }
.Lfunc_end0:
.L_simem_size_0:
called_computation.1_lowered:
.L_overlay_start_0:
0x88: {  	s2 =	sld [smem:$0x3FD9]  }
0x89: {  	s3 =	sld [smem:$0x3FFE];
	_ =	sdelay $0x1  }
0x8a: {  	s1 =	srdreg.scid  }
0x8b: {  	s0 =	sand.u32 $0x1, s1  }
0x8c: {  	s16 =	sshll.u32 s0, $0xA;
	s2 =	sadd.s32 s3, s2  }
0x8d: {  	s2 =	sadd.s32 s2, s16  }
0x8e: {  	[smem:$0x3FC2] =	sst s2  }
0x8f: {  	_ = 	snop  }
0x90: {  	(tm) =	ssettm $0x1  }
0x91: {  	s17 =	sld [smem:$0x3FFB];
	_ =	sdelay $0x3  }
0x92: {  	_ =	strace s17  }
0x93: {  	s2 =	sld [smem:$0x3FFC];
	_ =	sdelay $0x3  }
0x94: {  	_ =	strace s2  }
0x95: {  	s2 =	sld [smem:$0x3FFD];
	_ =	sdelay $0x3  }
0x96: {  	_ =	strace s2  }
0x97: {  	_ =	strace $0x8FFFFFFF  }
0x98: {  	s18 =	sld [smem:$0x3FDB];
	_ =	sdelay $0x1  }
0x99: {  	s19 =	simm.s32 $_scs_section_size  }
0x9a: {  	s4 =	simm.s32 $_size__tile_overlayer_lowered;
	s5 =	simm.s32 $_tile_overlayer_lowered  }
0x9b: {  	s22 =	simm.s32 $0x1BFF;
	s21 =	sshll.u32 s5, $0x1;
	s2 =	sadd.s32 s19, s18  }
0x9c: {  	s6 =	simm.s32 $0x0;
	s20 =	sshll.u32 s4, $0x1;
	s4 =	sadd.s32 s21, s2  }
0x9d: {  	[timem:s6], [sflag:s22] =	dma.local [hbm:s4], s20  }
0x9e: {  	_ =	swait.ge [sflag:s22], s20  }
0x9f: {  	s3 =	ssub.s32 $0x0, s20;
	[sflag:s22] =	ssyncset.done $0x0  }
0xa0: {  	[sflag:s22] =	ssyncadd.s32 s3;
	_ =	sdelay $0x1  }
0xa1: {  	s23 =	simm.s32 $0x1B8B  }
0xa2: {  	_ =	swait.ge [sflag:s23], $0x1  }
0xa3: {  	[sflag:s23] =	ssyncset.done $0x0  }
0xa4: {  	s25 =	simm.s32 $0x1B8E;
	s24 =	sld [smem:$0x3FFE];
	[sflag:s23] =	ssyncadd.s32 $0xFFFFFFFF  }
0xa5: {  	s26 =	simm.s32 $execute0_lowered;
	[smem:$0x3FD2] =	sst s25  }
0xa6: {  	s4 =	sshll.u32 s26, $0x1;
	_ =	strace $0x80000046;
	[dreg:$0x1] =	wrdreg $0xFFFFFFFF  }
0xa7: {  	s28 =	simm.s32 $_size_execute0_lowered;
	s2 =	sadd.s32 s2, s4;
	[dreg:$0x0] =	wrdreg $0x0  }
0xa8: {  	s4 =	sshll.u32 s28, $0x1;
	[dreg:$0x2] =	wrdreg s2  }
0xa9: {  	[dreg:$0x3] =	wrdreg s4  }
0xaa: {  	[dreg:$0x4] =	wrdreg $0xC0  }
0xab: {  	_ =	task [dreg:s6], $0x5FFFF  }
0xac: {  	[dreg:$0x1] =	wrdreg $0xFFFFFFFF  }
0xad: {  	[dreg:$0x0] =	wrdreg $0x60  }
0xae: {  	[dreg:$0x2] =	wrdreg s24  }
0xaf: {  	[dreg:$0x3] =	wrdreg $0xA  }
0xb0: {  	_ =	task.clear_ibuf [dreg:s6], $0x4FFFF;
	_ =	strace $0x90000046  }
0xb1: {  	s29 =	simm.s32 $0xA;
	_ =	strace $0x80000048  }
0xb2: {  	_ =	swait.ge [sflag:s29], $0x1  }
0xb3: {  	[sflag:s29] =	ssyncadd.s32 $0xFFFFFFFF  }
0xb4: {  	_ =	strace $0x90000048  }
0xb5: {  	_ =	sfence  }
0xb6: {  	s30 =	sld [smem:$0x0];
	_ =	sdelay $0x2  }
0xb7: {  	s31 =	sshll.u32 s1, $0xD;
	s1 =	sshrl.u32 s1, $0x2  }
0xb8: {  	s3 =	sand.u32 $0x4000, s31;
	s1 =	sadd.s32 s1, s30  }
0xb9: {  	s0 =	sor.u32 s3, s0;
	s1 =	sshll.u32 s1, $0x11  }
0xba: {  	s0 =	sor.u32 s1, s0  }
0xbb: {  	s0 =	sadd.s32 $0x8F2B, s0  }
0xbc: {  	[sflag:s0] =	ssyncadd.remote.s32 $0x1  }
0xbd: {  	_ =	sfence.sel $0xFFFF  }
0xbe: {  	[dreg:$0x0] =	wrdreg $0xFFFFFFFF;
	(pc) =	sbr.abs _section_cstart, $3  }
0xbf: {  	[dreg:$0x1] =	wrdreg $0xFFFFFFFF  }
0xc0: {  	_ =	task.clear_ibuf [dreg:s6], $0x2FFFF;
	_ =	strace $0x9FFFFFFF  }
0xc1: {  	(tm) =	ssettm $0x7FFFFFFF  }
tec
execute0_lowered:
.L_overlay_start_1:
0x0: {  	(tag) =	ssettag $0x1  }
0x1: {  	s1 =	srdreg.scid  }
0x2: {  	s0 =	stileid.u32;
	s16 =	sand.u32 $0x1, s1  }
0x3: {  	s30 =	sshll.u32 s0, $0xA;
	s2 =	sshll.u32 s16, $0x9  }
0x4: {  	s14 =	rddreg [dreg:$0x0];
	s15 =	sor.u32 s2, s30  }
0x5: {  	s1 =	rddreg [dreg:$0x1];
	s2 =	simm.s32 $0x0;
	s3 =	sshrl.u32 s15, $0x3  }
0x6: {  	[smem:$0x7FF] =	sst s2;
	s3 =	sadd.s32 s3, s14  }
0x7: {  	_ =	strace $0x80000047;
	s4 =	sadd.s32 $0x4B6E00, s3;
	s3 =	simm.s32 $0x3  }
0x8: {  	[tilespmem:s2], [sflag:$0x3] =	stream.linear.gather [hbm4b:s4+s2], $0x200, $0x38;
	[tilespmem:$0x10200] =	vst v63  }
0x9: {  	_ =	swait.ge [sflag:s3], $0x200  }
0xa: {  	s6 =	simm.s32 $0x80;
	[sflag:s3] =	ssyncset.done $0x0  }
0xb: {  	s7 =	simm.s32 $0x200;
	s5 =	sadd.s32 $0x195E00, s14;
	[sflag:s3] =	ssyncadd.s32 $0xFFFFFE00  }
0xc: {  	[tilespmem:s7], [sflag:$0x1] =	stream.indirect.gather [hbm4b:s5+s6], $0x80, s2, s6, $0xb8;
	[tilespmem:$0x10200] =	vst v63  }
0xd: {  	s8 =	simm.s32 $0x4200  }
0xe: {  	[tilespmem:s8], [sflag:$0x1] =	stream.indirect.gather [hbm4b:s5+s6], $0x80, s6, s6, $0xb8;
	[tilespmem:$0x10200] =	vst v63  }
0xf: {  	s9 =	simm.s32 $0x100;
	s10 =	simm.s32 $0x8200  }
0x10: {  	[tilespmem:s10], [sflag:$0x2] =	stream.indirect.gather [hbm4b:s5+s6], $0x80, s9, s6, $0xb8;
	[tilespmem:$0x10200] =	vst v63  }
0x11: {  	s11 =	simm.s32 $0x180;
	s12 =	simm.s32 $0xC200;
	s13 =	simm.s32 $0x1  }
0x12: {  	[tilespmem:s12], [sflag:$0x2] =	stream.indirect.gather [hbm4b:s5+s6], $0x80, s11, s6, $0xb8;
	[tilespmem:$0x10200] =	vst v63  }
0x13: {  	_ =	swait.ge [sflag:s13], $0x4000  }
0x14: {  	[sflag:s13] =	ssyncset.done $0x0  }
0x15: {  	[sflag:s13] =	ssyncadd.s32 $0xFFFFC000  }
0x16: {  	s15 =	sshll.u32 s15, $0x4;
	_ =	swait.ge [sflag:s13], $0x4000  }
0x17: {  	s17 =	sadd.s32 s15, s14;
	[sflag:s13] =	ssyncset.done $0x0  }
0x18: {  	s14 =	sadd.s32 $0x4B7600, s17;
	[sflag:s13] =	ssyncadd.s32 $0xFFFFC000  }
0x19: {  	[hbm4b:s14+s2] =	stream.linear.scatter [tilespmem:s7], [sflag:$0x3], $0x8000, $0x38;
	[tilespmem:$0x10200] =	vst v63  }
0x1a: {  	_ =	swait.ge [sflag:s3], $0x8000  }
0x1b: {  	[sflag:s3] =	ssyncset.done $0x0  }
0x1c: {  	s16 =	ssub.s32 $0x2, s16;
	s15 =	simm.s32 $0x2;
	[sflag:s3] =	ssyncadd.s32 $0xFFFF8000  }
0x1d: {  	s18 =	sshrl.u32 s16, $0x1;
	_ =	swait.ge [sflag:s15], $0x4000  }
0x1e: {  	s18 =	ssub.s32 s16, s18;
	[sflag:s15] =	ssyncset.done $0x0  }
0x1f: {  	s31 =	smax.u32 s18, $0x1;
	[sflag:s15] =	ssyncadd.s32 $0xFFFFC000  }
0x20: {  	p0 =	sne.s32 s31, $0x1;
	_ =	swait.ge [sflag:s15], $0x4000  }
.Ltmp0:
0x21: {  	[sflag:s15] =	ssyncset.done $0x0;
	(pc) =	sbr.rel @!p0 .LBB2_2-.Ltmp0, $4  }
0x22: {  	s16 =	sadd.s32 $0x4B8600, s17;
	[sflag:s15] =	ssyncadd.s32 $0xFFFFC000  }
0x23: {  	[hbm4b:s16+s2] =	stream.linear.scatter [tilespmem:s10], [sflag:$0x3], $0x8000, $0x38;
	[tilespmem:$0x10200] =	vst v63  }
0x24: {  	_ =	swait.ge [sflag:s3], $0x8000  }
0x25: {  	s17 =	sadd.s32 $0xFFFFFFFF, s31;
	[sflag:s3] =	ssyncset.done $0x0  }
.LBB2_1:
0x26: {  	p0 =	sne.s32 s17, $0x1;
	s17 =	sadd.s32 $0xFFFFFFFF, s17;
	[sflag:s3] =	ssyncadd.s32 $0xFFFF8000  }
0x27: {  	[tilespmem:s2], [sflag:$0x3] =	stream.linear.gather [hbm4b:s4+s2], $0x200, $0x38;
	[tilespmem:$0x10200] =	vst v63  }
0x28: {  	_ =	swait.ge [sflag:s3], $0x200  }
0x29: {  	[sflag:s3] =	ssyncset.done $0x0  }
0x2a: {  	[sflag:s3] =	ssyncadd.s32 $0xFFFFFE00  }
0x2b: {  	[tilespmem:s7], [sflag:$0x1] =	stream.indirect.gather [hbm4b:s5+s6], $0x80, s2, s6, $0xb8;
	[tilespmem:$0x10200] =	vst v63  }
0x2c: {  	_ = 	snop  }
0x2d: {  	[tilespmem:s8], [sflag:$0x1] =	stream.indirect.gather [hbm4b:s5+s6], $0x80, s6, s6, $0xb8;
	[tilespmem:$0x10200] =	vst v63  }
0x2e: {  	_ = 	snop  }
0x2f: {  	[tilespmem:s10], [sflag:$0x2] =	stream.indirect.gather [hbm4b:s5+s6], $0x80, s9, s6, $0xb8;
	[tilespmem:$0x10200] =	vst v63  }
0x30: {  	_ = 	snop  }
0x31: {  	[tilespmem:s12], [sflag:$0x2] =	stream.indirect.gather [hbm4b:s5+s6], $0x80, s11, s6, $0xb8;
	[tilespmem:$0x10200] =	vst v63  }
0x32: {  	_ =	swait.ge [sflag:s13], $0x4000  }
0x33: {  	[sflag:s13] =	ssyncset.done $0x0  }
0x34: {  	[sflag:s13] =	ssyncadd.s32 $0xFFFFC000  }
0x35: {  	_ =	swait.ge [sflag:s13], $0x4000  }
0x36: {  	[sflag:s13] =	ssyncset.done $0x0  }
0x37: {  	[sflag:s13] =	ssyncadd.s32 $0xFFFFC000  }
0x38: {  	[hbm4b:s14+s2] =	stream.linear.scatter [tilespmem:s7], [sflag:$0x3], $0x8000, $0x38;
	[tilespmem:$0x10200] =	vst v63  }
0x39: {  	_ =	swait.ge [sflag:s3], $0x8000  }
0x3a: {  	[sflag:s3] =	ssyncset.done $0x0  }
0x3b: {  	[sflag:s3] =	ssyncadd.s32 $0xFFFF8000  }
0x3c: {  	_ =	swait.ge [sflag:s15], $0x4000  }
0x3d: {  	[sflag:s15] =	ssyncset.done $0x0  }
0x3e: {  	[sflag:s15] =	ssyncadd.s32 $0xFFFFC000  }
0x3f: {  	_ =	swait.ge [sflag:s15], $0x4000  }
.Ltmp1:
0x40: {  	[sflag:s15] =	ssyncset.done $0x0;
	(pc) =	sbr.rel @p0 .LBB2_1-.Ltmp1, $4  }
0x41: {  	[sflag:s15] =	ssyncadd.s32 $0xFFFFC000  }
0x42: {  	[hbm4b:s16+s2] =	stream.linear.scatter [tilespmem:s10], [sflag:$0x3], $0x8000, $0x38;
	[tilespmem:$0x10200] =	vst v63  }
0x43: {  	_ =	swait.ge [sflag:s3], $0x8000  }
0x44: {  	[sflag:s3] =	ssyncset.done $0x0  }
.LBB2_2:
0x45: {  	[sflag:s3] =	ssyncadd.s32 $0xFFFF8000  }
0x46: {  	_ =	sfence.sel $0x180000  }
0x47: {  	[bflag:$0x0] =	sbarrier.arrive $0xFFFF  }
0x48: {  	p0 =	sne.s32 s0, $0x0;
	_ =	strace $0x90000047  }
0x49: {  	s0 =	sadd.s32 @!p0 $0x100000, s1;
	[bflag:$0x2] =	sbarrier.arrive $0xFFFF  }
0x4a: {  	[sflag:s0] =	ssyncadd.tile.s32 @!p0 $0x1;
	_ =	shalt  }
.Lfunc_end2:
_tile_overlayer_lowered:
.L_overlay_start_2:
0x4b: {  	(tag) =	ssettag $0x2  }
0x4c: {  	s0 =	rddreg [dreg:$0x0];
	s2 =	stileid.u32  }
0x4d: {  	s1 =	rddreg [dreg:$0x1];
	p0 =	sne.s32 s2, $0x0  }
0x4e: {  	s3 =	rddreg [dreg:$0x2];
	[bflag:$0x3] =	sbarrier.arrive $0xFFFF;
	s2 =	simm.s32 @!p0 $0x1C03  }
0x4f: {  	[timem:s3], [sflag:s2] =	dma.local @!p0 [hbm:s0], s1  }
0x50: {  	s0 =	simm.s32 @!p0 $0x3  }
0x51: {  	_ =	swait.ge @!p0 [sflag:s0], s1  }
0x52: {  	s1 =	ssub.s32 @!p0 $0x0, s1;
	[sflag:s0] =	ssyncset.done @!p0 $0x0  }
0x53: {  	[sflag:s0] =	ssyncadd.s32 @!p0 s1  }
0x54: {  	[bflag:$0x3] =	sbarrier.arrive $0xFFFF  }
0x55: {  	_ =	shalt  }

// kernel: kernel.24.cloned.1.call-start
scs
__scs_entry_jumppad:
0x0: {  	(pc) =	sbr.rel $0x88, $3  }
0x1: {  	(tag) =	ssettag $0x0;
	lr =	simm.s32 $0x1  }
0x2: {  	[smem:$0x3F9B] =	sst lr;
	_ =	strace $0xD0000000  }
0x3: {  	_ = 	snop  }
0x4: {  	_ = 	snop  }
0x5: {  	_ = 	snop  }
0x6: {  	_ = 	snop  }
0x7: {  	_ = 	snop  }
__scs_overlays_trampoline_lowered:
0x8: {  	[smem:$0x3FAA] =	sst s0  }
0x9: {  	[smem:$0x3FAB] =	sst s1  }
0xa: {  	[smem:$0x3FAC] =	sst s2  }
0xb: {  	[smem:$0x3FAD] =	sst s3  }
0xc: {  	[smem:$0x3FAE] =	sst s4  }
0xd: {  	[smem:$0x3FAF] =	sst s5  }
0xe: {  	[smem:$0x3FB0] =	sst s6  }
0xf: {  	[smem:$0x3FB1] =	sst s7  }
0x10: {  	[smem:$0x3FB2] =	sst s8  }
0x11: {  	[smem:$0x3FB3] =	sst s9;
	s0 =	simm.s32 @!p0 $0x0  }
0x12: {  	s1 =	sld [smem:$0x3F99];
	s0 =	simm.s32 @p0 $0x1  }
0x13: {  	[smem:$0x3FB4] =	sst s0;
	s0 =	simm.s32 @!p1 $0x0  }
0x14: {  	s2 =	sld [smem:$0x3F98];
	s0 =	simm.s32 @p1 $0x1  }
0x15: {  	[smem:$0x3FB5] =	sst s0;
	s0 =	simm.s32 @!p2 $0x0  }
0x16: {  	s3 =	sld [smem:$0x3FDB];
	s0 =	simm.s32 @p2 $0x1  }
0x17: {  	s4 =	simm.s32 $0x1BF5;
	[smem:$0x3FB7] =	sst s0  }
0x18: {  	s0 =	sld [smem:$0x3F9A];
	_ =	swait.ge [sflag:s4], $0x0  }
0x19: {  	s7 =	sld [smem:$0x3F9B]  }
0x1a: {  	s8 =	sadd.s32 $0xFFFFE003, lr  }
0x1b: {  	s9 =	sadd.s32 $0xFFFFFEF7, lr;
	s5 =	simm.s32 $0xFFFFFFFF;
	p2 =	slt.u32 s8, $0xFFFFF086  }
0x1c: {  	p1 =	slt.u32 s9, $0xF7A;
	s5 =	simm.s32 @!p2 $0x0  }
0x1d: {  	s5 =	simm.s32 @p1 $0x1;
	p0 =	seq.s32 s7, s2  }
0x1e: {  	s7 =	smul.u32 @!p0 $0xF7A, s2;
	p2 =	seq.s32 @!p0 s5, $0x0  }
0x1f: {  	s9 =	smul.u32 $0xF7A, s1;
	s8 =	simm.s32 @!p0 $0x1BF5;
	p2 =	por !p2, p0  }
0x20: {  	[sflag:s8] =	ssyncset.s32 @!p0 $0xFFFFF086;
	s6 =	sadd.s32 @!p0 s3, s7;
	s7 =	simm.s32 @!p0 $0x108  }
0x21: {  	s3 =	sadd.s32 s3, s9;
	s6 =	sadd.s32 @!p0 $0x88, s6;
	s7 =	simm.s32 @p2 $0x1082  }
0x22: {  	[simem:s7], [sflag:s8] =	dma.local @!p0 [hbm:s6], $0xF7A  }
0x23: {  	s9 =	sor.u32 $0xD0000000, s2;
	s6 =	simm.s32 $0x108;
	_ =	swait.ge @!p0 [sflag:s8], $0x0  }
0x24: {  	s3 =	sadd.s32 $0x88, s3;
	s6 =	simm.s32 @!p1 $0x1082;
	[sflag:s4] =	ssyncset.s32 $0xFFFFF086  }
0x25: {  	[simem:s6], [sflag:s4] =	dma.local [hbm:s3], $0xF7A  }
0x26: {  	[smem:$0x3F9B] =	sst s1;
	(tag) =	ssettag s2;
	_ =	strace s9  }
0x27: {  	s1 =	sld [smem:$0x3FAB]  }
0x28: {  	s2 =	sld [smem:$0x3FAC]  }
0x29: {  	s4 =	sld [smem:$0x3FAE]  }
0x2a: {  	p0 =	seq.s32 s5, $0x0;
	s5 =	sld [smem:$0x3FAF]  }
0x2b: {  	s6 =	sld [smem:$0x3FB0]  }
0x2c: {  	s7 =	sld [smem:$0x3FB1]  }
0x2d: {  	s3 =	simm.s32 $0x108;
	s8 =	sld [smem:$0x3FB2]  }
0x2e: {  	s3 =	simm.s32 @!p0 $0x1082;
	s9 =	sld [smem:$0x3FB3]  }
0x2f: {  	lr =	sadd.s32 s0, s3;
	s0 =	sld [smem:$0x3FAA]  }
0x30: {  	s3 =	sld [smem:$0x3FAD]  }
0x31: {  	[smem:$0x3FB6] =	sst s10  }
0x32: {  	s10 =	sld [smem:$0x3FB4];
	_ =	sdelay $0x3  }
0x33: {  	p0 =	seq.s32 s10, $0x1;
	s10 =	sld [smem:$0x3FB6];
	_ =	sdelay $0x3  }
0x34: {  	[smem:$0x3FB6] =	sst s10  }
0x35: {  	s10 =	sld [smem:$0x3FB5];
	_ =	sdelay $0x3  }
0x36: {  	p1 =	seq.s32 s10, $0x1;
	s10 =	sld [smem:$0x3FB6];
	_ =	sdelay $0x3  }
0x37: {  	[smem:$0x3FB6] =	sst s10  }
0x38: {  	s10 =	sld [smem:$0x3FB7]  }
0x39: {  	_ = 	snop;
	(pc) =	sbr.ind lr, $3  }
0x3a: {  	_ = 	snop  }
0x3b: {  	_ = 	snop  }
0x3c: {  	p2 =	seq.s32 s10, $0x1;
	s10 =	sld [smem:$0x3FB6]  }
0x3d: {  	_ =	shalt  }
0x3e: {  	_ =	shalt  }
0x3f: {  	_ =	shalt  }
0x40: {  	_ =	shalt  }
0x41: {  	_ =	shalt  }
0x42: {  	_ =	shalt  }
0x43: {  	_ =	shalt  }
0x44: {  	_ =	shalt  }
0x45: {  	_ =	shalt  }
0x46: {  	_ =	shalt  }
0x47: {  	_ =	shalt  }
0x48: {  	_ =	shalt  }
0x49: {  	_ =	shalt  }
0x4a: {  	_ =	shalt  }
0x4b: {  	_ =	shalt  }
0x4c: {  	_ =	shalt  }
0x4d: {  	_ =	shalt  }
0x4e: {  	_ =	shalt  }
0x4f: {  	_ =	shalt  }
0x50: {  	_ =	shalt  }
0x51: {  	_ =	shalt  }
0x52: {  	_ =	shalt  }
0x53: {  	_ =	shalt  }
0x54: {  	_ =	shalt  }
0x55: {  	_ =	shalt  }
0x56: {  	_ =	shalt  }
0x57: {  	_ =	shalt  }
0x58: {  	_ =	shalt  }
0x59: {  	_ =	shalt  }
0x5a: {  	_ =	shalt  }
0x5b: {  	_ =	shalt  }
0x5c: {  	_ =	shalt  }
0x5d: {  	_ =	shalt  }
0x5e: {  	_ =	shalt  }
0x5f: {  	_ =	shalt  }
0x60: {  	_ =	shalt  }
0x61: {  	_ =	shalt  }
0x62: {  	_ =	shalt  }
0x63: {  	_ =	shalt  }
0x64: {  	_ =	shalt  }
0x65: {  	_ =	shalt  }
0x66: {  	_ =	shalt  }
0x67: {  	_ =	shalt  }
0x68: {  	_ =	shalt  }
0x69: {  	_ =	shalt  }
0x6a: {  	_ =	shalt  }
0x6b: {  	_ =	shalt  }
0x6c: {  	_ =	shalt  }
0x6d: {  	_ =	shalt  }
0x6e: {  	_ =	shalt  }
0x6f: {  	_ =	shalt  }
0x70: {  	_ =	shalt  }
0x71: {  	_ =	shalt  }
0x72: {  	_ =	shalt  }
0x73: {  	_ =	shalt  }
0x74: {  	_ =	shalt  }
0x75: {  	_ =	shalt  }
0x76: {  	_ =	shalt  }
0x77: {  	_ =	shalt  }
0x78: {  	_ =	shalt  }
0x79: {  	_ =	shalt  }
0x7a: {  	_ =	shalt  }
0x7b: {  	_ =	shalt  }
0x7c: {  	_ =	shalt  }
0x7d: {  	_ =	shalt  }
0x7e: {  	_ =	shalt  }
0x7f: {  	_ =	shalt  }
0x80: {  	_ =	shalt  }
0x81: {  	_ =	shalt  }
0x82: {  	_ =	shalt  }
0x83: {  	_ =	shalt  }
0x84: {  	_ =	shalt  }
0x85: {  	_ =	shalt  }
0x86: {  	_ =	shalt  }
0x87: {  	_ =	shalt  }
.Lfunc_end0:
.L_simem_size_0:
called_computation.2_lowered:
.L_overlay_start_0:
0x88: {  	s2 =	sld [smem:$0x3FD9]  }
0x89: {  	s3 =	sld [smem:$0x3FFE];
	_ =	sdelay $0x1  }
0x8a: {  	s1 =	srdreg.scid  }
0x8b: {  	s0 =	sand.u32 $0x1, s1  }
0x8c: {  	s17 =	sshll.u32 s0, $0xA;
	s2 =	sadd.s32 s3, s2  }
0x8d: {  	s2 =	sadd.s32 s2, s17  }
0x8e: {  	[smem:$0x3FC2] =	sst s2  }
0x8f: {  	_ = 	snop  }
0x90: {  	(tm) =	ssettm $0x1  }
0x91: {  	s18 =	sld [smem:$0x3FFB];
	_ =	sdelay $0x3  }
0x92: {  	_ =	strace s18  }
0x93: {  	s2 =	sld [smem:$0x3FFC];
	_ =	sdelay $0x3  }
0x94: {  	_ =	strace s2  }
0x95: {  	s2 =	sld [smem:$0x3FFD];
	_ =	sdelay $0x3  }
0x96: {  	_ =	strace s2  }
0x97: {  	_ =	strace $0x8FFFFFFF  }
0x98: {  	s19 =	sld [smem:$0x3FDB];
	_ =	sdelay $0x1  }
0x99: {  	s20 =	simm.s32 $_scs_section_size  }
0x9a: {  	s4 =	simm.s32 $_size__tile_overlayer_lowered;
	s5 =	simm.s32 $_tile_overlayer_lowered  }
0x9b: {  	s6 =	simm.s32 $0x1BFF;
	s21 =	sshll.u32 s5, $0x1;
	s3 =	sadd.s32 s20, s19  }
0x9c: {  	s22 =	simm.s32 $0x0;
	s4 =	sshll.u32 s4, $0x1;
	s5 =	sadd.s32 s21, s3  }
0x9d: {  	[timem:s22], [sflag:s6] =	dma.local [hbm:s5], s4  }
0x9e: {  	_ =	swait.ge [sflag:s6], s4  }
0x9f: {  	s4 =	ssub.s32 $0x0, s4;
	[sflag:s6] =	ssyncset.done $0x0  }
0xa0: {  	[sflag:s6] =	ssyncadd.s32 s4;
	_ =	sdelay $0x1  }
0xa1: {  	s23 =	simm.s32 $0x1B8B  }
0xa2: {  	_ =	swait.ge [sflag:s23], $0x1  }
0xa3: {  	[sflag:s23] =	ssyncset.done $0x0  }
0xa4: {  	[sflag:s23] =	ssyncadd.s32 $0xFFFFFFFF  }
0xa5: {  	s4 =	sld [smem:$0x0]  }
0xa6: {  	s5 =	sand.u32 $0xFFFFFFFE, s1  }
0xa7: {  	p0 =	sne.s32 s1, s5  }
0xa8: {  	s5 =	sshll.u32 @p0 s5, $0xE  }
0xa9: {  	s5 =	sadd.s32 @p0 $0x11B8D, s5;
	s6 =	sshll.u32 @p0 s4, $0x11  }
0xaa: {  	s5 =	sor.u32 @p0 s6, s5  }
0xab: {  	[sflag:s5] =	ssyncadd.remote.s32 @p0 $0x1;
	_ =	sdelay $0x1  }
0xac: {  	s5 =	simm.s32 @p0 $0x1B8D  }
0xad: {  	_ =	swait.eq @p0 [sflag:s5], $0x1  }
0xae: {  	[sflag:s5] =	ssyncadd.s32 @p0 $0xFFFFFFFF  }
0xaf: {  	s6 =	sshll.u32 @!p0 s1, $0xE  }
0xb0: {  	s6 =	sor.u32 @!p0 $0x4000, s6;
	s5 =	simm.s32 @!p0 $0x1B8D  }
0xb1: {  	s4 =	sshll.u32 @!p0 s4, $0x11;
	s6 =	sadd.s32 @!p0 $0x11B8D, s6;
	_ =	swait.eq @!p0 [sflag:s5], $0x1  }
0xb2: {  	s4 =	sor.u32 @!p0 s4, s6;
	[sflag:s5] =	ssyncadd.s32 @!p0 $0xFFFFFFFF  }
0xb3: {  	s25 =	simm.s32 $0x1B8E;
	s24 =	sld [smem:$0x3FFE];
	[sflag:s4] =	ssyncadd.remote.s32 @!p0 $0x1  }
0xb4: {  	s26 =	simm.s32 $execute0_lowered;
	[smem:$0x3FD2] =	sst s25  }
0xb5: {  	s5 =	sshll.u32 s26, $0x1;
	_ =	strace $0x8000004C;
	[dreg:$0x1] =	wrdreg $0xFFFFFFFF  }
0xb6: {  	s28 =	simm.s32 $_size_execute0_lowered;
	s3 =	sadd.s32 s3, s5;
	[dreg:$0x0] =	wrdreg $0x0  }
0xb7: {  	s5 =	sshll.u32 s28, $0x1;
	[dreg:$0x2] =	wrdreg s3  }
0xb8: {  	[dreg:$0x3] =	wrdreg s5  }
0xb9: {  	[dreg:$0x4] =	wrdreg $0xC0  }
0xba: {  	_ =	task [dreg:s22], $0x5FFFF  }
0xbb: {  	[dreg:$0x1] =	wrdreg $0xFFFFFFFF  }
0xbc: {  	[dreg:$0x0] =	wrdreg $0x60  }
0xbd: {  	[dreg:$0x2] =	wrdreg s24  }
0xbe: {  	[dreg:$0x3] =	wrdreg $0xB  }
0xbf: {  	_ =	task.clear_ibuf [dreg:s22], $0x4FFFF;
	_ =	strace $0x9000004C  }
0xc0: {  	s29 =	simm.s32 $0xB;
	_ =	strace $0x8000004E  }
0xc1: {  	_ =	swait.ge [sflag:s29], $0x1  }
0xc2: {  	[sflag:s29] =	ssyncadd.s32 $0xFFFFFFFF  }
0xc3: {  	_ =	strace $0x9000004E  }
0xc4: {  	_ =	sfence  }
0xc5: {  	s30 =	sld [smem:$0x0];
	_ =	sdelay $0x2  }
0xc6: {  	s31 =	sshll.u32 s1, $0xD;
	s1 =	sshrl.u32 s1, $0x2  }
0xc7: {  	s4 =	sand.u32 $0x4000, s31;
	s1 =	sadd.s32 s1, s30  }
0xc8: {  	s0 =	sor.u32 s4, s0;
	s1 =	sshll.u32 s1, $0x11  }
0xc9: {  	s0 =	sor.u32 s1, s0  }
0xca: {  	s0 =	sadd.s32 $0x8F2B, s0  }
0xcb: {  	[sflag:s0] =	ssyncadd.remote.s32 $0x1  }
0xcc: {  	_ =	sfence.sel $0xFFFF  }
0xcd: {  	[dreg:$0x0] =	wrdreg $0xFFFFFFFF;
	(pc) =	sbr.abs _section_cstart, $3  }
0xce: {  	[dreg:$0x1] =	wrdreg $0xFFFFFFFF  }
0xcf: {  	_ =	task.clear_ibuf [dreg:s22], $0x2FFFF;
	_ =	strace $0x9FFFFFFF  }
0xd0: {  	(tm) =	ssettm $0x7FFFFFFF  }
0xd1: {  	_ =	shalt  }
tec
execute0_lowered:
.L_overlay_start_1:
0x0: {  	(tag) =	ssettag $0x1  }
0x1: {  	s1 =	srdreg.scid  }
0x2: {  	s0 =	stileid.u32;
	s16 =	sand.u32 $0x1, s1  }
0x3: {  	s30 =	sshll.u32 s0, $0xA;
	s2 =	sshll.u32 s16, $0x9  }
0x4: {  	s14 =	rddreg [dreg:$0x0];
	s15 =	sor.u32 s2, s30  }
0x5: {  	s1 =	rddreg [dreg:$0x1];
	s2 =	simm.s32 $0x0;
	s3 =	sshrl.u32 s15, $0x3  }
0x6: {  	[smem:$0x7FF] =	sst s2;
	s3 =	sadd.s32 s3, s14  }
0x7: {  	_ =	strace $0x8000004D;
	s4 =	sadd.s32 $0xB78E00, s3;
	s3 =	simm.s32 $0x3  }
0x8: {  	[tilespmem:s2], [sflag:$0x3] =	stream.linear.gather [hbm4b:s4+s2], $0x200, $0x38;
	[tilespmem:$0x10200] =	vst v63  }
0x9: {  	_ =	swait.ge [sflag:s3], $0x200  }
0xa: {  	s6 =	simm.s32 $0x80;
	[sflag:s3] =	ssyncset.done $0x0  }
0xb: {  	s7 =	simm.s32 $0x200;
	s5 =	sadd.s32 $0x858E00, s14;
	[sflag:s3] =	ssyncadd.s32 $0xFFFFFE00  }
0xc: {  	[tilespmem:s7], [sflag:$0x1] =	stream.indirect.gather [hbm4b:s5+s6], $0x80, s2, s6, $0xb8;
	[tilespmem:$0x10200] =	vst v63  }
0xd: {  	s8 =	simm.s32 $0x4200  }
0xe: {  	[tilespmem:s8], [sflag:$0x1] =	stream.indirect.gather [hbm4b:s5+s6], $0x80, s6, s6, $0xb8;
	[tilespmem:$0x10200] =	vst v63  }
0xf: {  	s9 =	simm.s32 $0x100;
	s10 =	simm.s32 $0x8200  }
0x10: {  	[tilespmem:s10], [sflag:$0x2] =	stream.indirect.gather [hbm4b:s5+s6], $0x80, s9, s6, $0xb8;
	[tilespmem:$0x10200] =	vst v63  }
0x11: {  	s11 =	simm.s32 $0x180;
	s12 =	simm.s32 $0xC200;
	s13 =	simm.s32 $0x1  }
0x12: {  	[tilespmem:s12], [sflag:$0x2] =	stream.indirect.gather [hbm4b:s5+s6], $0x80, s11, s6, $0xb8;
	[tilespmem:$0x10200] =	vst v63  }
0x13: {  	_ =	swait.ge [sflag:s13], $0x4000  }
0x14: {  	[sflag:s13] =	ssyncset.done $0x0  }
0x15: {  	[sflag:s13] =	ssyncadd.s32 $0xFFFFC000  }
0x16: {  	s15 =	sshll.u32 s15, $0x4;
	_ =	swait.ge [sflag:s13], $0x4000  }
0x17: {  	s17 =	sadd.s32 s15, s14;
	[sflag:s13] =	ssyncset.done $0x0  }
0x18: {  	s14 =	sadd.s32 $0xB79600, s17;
	[sflag:s13] =	ssyncadd.s32 $0xFFFFC000  }
0x19: {  	[hbm4b:s14+s2] =	stream.linear.scatter [tilespmem:s7], [sflag:$0x3], $0x8000, $0x38;
	[tilespmem:$0x10200] =	vst v63  }
0x1a: {  	_ =	swait.ge [sflag:s3], $0x8000  }
0x1b: {  	[sflag:s3] =	ssyncset.done $0x0  }
0x1c: {  	s16 =	ssub.s32 $0x2, s16;
	s15 =	simm.s32 $0x2;
	[sflag:s3] =	ssyncadd.s32 $0xFFFF8000  }
0x1d: {  	s18 =	sshrl.u32 s16, $0x1;
	_ =	swait.ge [sflag:s15], $0x4000  }
0x1e: {  	s18 =	ssub.s32 s16, s18;
	[sflag:s15] =	ssyncset.done $0x0  }
0x1f: {  	s31 =	smax.u32 s18, $0x1;
	[sflag:s15] =	ssyncadd.s32 $0xFFFFC000  }
0x20: {  	p0 =	sne.s32 s31, $0x1;
	_ =	swait.ge [sflag:s15], $0x4000  }
.Ltmp0:
0x21: {  	[sflag:s15] =	ssyncset.done $0x0;
	(pc) =	sbr.rel @!p0 .LBB2_2-.Ltmp0, $4  }
0x22: {  	s16 =	sadd.s32 $0xB7A600, s17;
	[sflag:s15] =	ssyncadd.s32 $0xFFFFC000  }
0x23: {  	[hbm4b:s16+s2] =	stream.linear.scatter [tilespmem:s10], [sflag:$0x3], $0x8000, $0x38;
	[tilespmem:$0x10200] =	vst v63  }
0x24: {  	_ =	swait.ge [sflag:s3], $0x8000  }
0x25: {  	s17 =	sadd.s32 $0xFFFFFFFF, s31;
	[sflag:s3] =	ssyncset.done $0x0  }
.LBB2_1:
0x26: {  	p0 =	sne.s32 s17, $0x1;
	s17 =	sadd.s32 $0xFFFFFFFF, s17;
	[sflag:s3] =	ssyncadd.s32 $0xFFFF8000  }
0x27: {  	[tilespmem:s2], [sflag:$0x3] =	stream.linear.gather [hbm4b:s4+s2], $0x200, $0x38;
	[tilespmem:$0x10200] =	vst v63  }
0x28: {  	_ =	swait.ge [sflag:s3], $0x200  }
0x29: {  	[sflag:s3] =	ssyncset.done $0x0  }
0x2a: {  	[sflag:s3] =	ssyncadd.s32 $0xFFFFFE00  }
0x2b: {  	[tilespmem:s7], [sflag:$0x1] =	stream.indirect.gather [hbm4b:s5+s6], $0x80, s2, s6, $0xb8;
	[tilespmem:$0x10200] =	vst v63  }
0x2c: {  	_ = 	snop  }
0x2d: {  	[tilespmem:s8], [sflag:$0x1] =	stream.indirect.gather [hbm4b:s5+s6], $0x80, s6, s6, $0xb8;
	[tilespmem:$0x10200] =	vst v63  }
0x2e: {  	_ = 	snop  }
0x2f: {  	[tilespmem:s10], [sflag:$0x2] =	stream.indirect.gather [hbm4b:s5+s6], $0x80, s9, s6, $0xb8;
	[tilespmem:$0x10200] =	vst v63  }
0x30: {  	_ = 	snop  }
0x31: {  	[tilespmem:s12], [sflag:$0x2] =	stream.indirect.gather [hbm4b:s5+s6], $0x80, s11, s6, $0xb8;
	[tilespmem:$0x10200] =	vst v63  }
0x32: {  	_ =	swait.ge [sflag:s13], $0x4000  }
0x33: {  	[sflag:s13] =	ssyncset.done $0x0  }
0x34: {  	[sflag:s13] =	ssyncadd.s32 $0xFFFFC000  }
0x35: {  	_ =	swait.ge [sflag:s13], $0x4000  }
0x36: {  	[sflag:s13] =	ssyncset.done $0x0  }
0x37: {  	[sflag:s13] =	ssyncadd.s32 $0xFFFFC000  }
0x38: {  	[hbm4b:s14+s2] =	stream.linear.scatter [tilespmem:s7], [sflag:$0x3], $0x8000, $0x38;
	[tilespmem:$0x10200] =	vst v63  }
0x39: {  	_ =	swait.ge [sflag:s3], $0x8000  }
0x3a: {  	[sflag:s3] =	ssyncset.done $0x0  }
0x3b: {  	[sflag:s3] =	ssyncadd.s32 $0xFFFF8000  }
0x3c: {  	_ =	swait.ge [sflag:s15], $0x4000  }
0x3d: {  	[sflag:s15] =	ssyncset.done $0x0  }
0x3e: {  	[sflag:s15] =	ssyncadd.s32 $0xFFFFC000  }
0x3f: {  	_ =	swait.ge [sflag:s15], $0x4000  }
.Ltmp1:
0x40: {  	[sflag:s15] =	ssyncset.done $0x0;
	(pc) =	sbr.rel @p0 .LBB2_1-.Ltmp1, $4  }
0x41: {  	[sflag:s15] =	ssyncadd.s32 $0xFFFFC000  }
0x42: {  	[hbm4b:s16+s2] =	stream.linear.scatter [tilespmem:s10], [sflag:$0x3], $0x8000, $0x38;
	[tilespmem:$0x10200] =	vst v63  }
0x43: {  	_ =	swait.ge [sflag:s3], $0x8000  }
0x44: {  	[sflag:s3] =	ssyncset.done $0x0  }
.LBB2_2:
0x45: {  	[sflag:s3] =	ssyncadd.s32 $0xFFFF8000  }
0x46: {  	_ =	sfence.sel $0x180000  }
0x47: {  	[bflag:$0x0] =	sbarrier.arrive $0xFFFF  }
0x48: {  	p0 =	sne.s32 s0, $0x0;
	_ =	strace $0x9000004D  }
0x49: {  	s0 =	sadd.s32 @!p0 $0x100000, s1;
	[bflag:$0x2] =	sbarrier.arrive $0xFFFF  }
0x4a: {  	[sflag:s0] =	ssyncadd.tile.s32 @!p0 $0x1;
	_ =	shalt  }
.Lfunc_end2:
_tile_overlayer_lowered:
.L_overlay_start_2:
0x4b: {  	(tag) =	ssettag $0x2  }
0x4c: {  	s0 =	rddreg [dreg:$0x0];
	s2 =	stileid.u32  }
0x4d: {  	s1 =	rddreg [dreg:$0x1];
	p0 =	sne.s32 s2, $0x0  }
0x4e: {  	s3 =	rddreg [dreg:$0x2];
	[bflag:$0x3] =	sbarrier.arrive $0xFFFF;
	s2 =	simm.s32 @!p0 $0x1C03  }
0x4f: {  	[timem:s3], [sflag:s2] =	dma.local @!p0 [hbm:s0], s1  }
0x50: {  	s0 =	simm.s32 @!p0 $0x3  }
0x51: {  	_ =	swait.ge @!p0 [sflag:s0], s1  }
0x52: {  	s1 =	ssub.s32 @!p0 $0x0, s1;
	[sflag:s0] =	ssyncset.done @!p0 $0x0  }
0x53: {  	[sflag:s0] =	ssyncadd.s32 @!p0 s1  }
0x54: {  	[bflag:$0x3] =	sbarrier.arrive $0xFFFF  }
0x55: {  	_ =	shalt  }

// kernel: kernel.27.cloned.1.call-start
scs
__scs_entry_jumppad:
0x0: {  	(pc) =	sbr.rel $0x88, $3  }
0x1: {  	(tag) =	ssettag $0x0;
	lr =	simm.s32 $0x1  }
0x2: {  	[smem:$0x3F9B] =	sst lr;
	_ =	strace $0xD0000000  }
0x3: {  	_ = 	snop  }
0x4: {  	_ = 	snop  }
0x5: {  	_ = 	snop  }
0x6: {  	_ = 	snop  }
0x7: {  	_ = 	snop  }
__scs_overlays_trampoline_lowered:
0x8: {  	[smem:$0x3FAA] =	sst s0  }
0x9: {  	[smem:$0x3FAB] =	sst s1  }
0xa: {  	[smem:$0x3FAC] =	sst s2  }
0xb: {  	[smem:$0x3FAD] =	sst s3  }
0xc: {  	[smem:$0x3FAE] =	sst s4  }
0xd: {  	[smem:$0x3FAF] =	sst s5  }
0xe: {  	[smem:$0x3FB0] =	sst s6  }
0xf: {  	[smem:$0x3FB1] =	sst s7  }
0x10: {  	[smem:$0x3FB2] =	sst s8  }
0x11: {  	[smem:$0x3FB3] =	sst s9;
	s0 =	simm.s32 @!p0 $0x0  }
0x12: {  	s1 =	sld [smem:$0x3F99];
	s0 =	simm.s32 @p0 $0x1  }
0x13: {  	[smem:$0x3FB4] =	sst s0;
	s0 =	simm.s32 @!p1 $0x0  }
0x14: {  	s2 =	sld [smem:$0x3F98];
	s0 =	simm.s32 @p1 $0x1  }
0x15: {  	[smem:$0x3FB5] =	sst s0;
	s0 =	simm.s32 @!p2 $0x0  }
0x16: {  	s3 =	sld [smem:$0x3FDB];
	s0 =	simm.s32 @p2 $0x1  }
0x17: {  	s4 =	simm.s32 $0x1BF5;
	[smem:$0x3FB7] =	sst s0  }
0x18: {  	s0 =	sld [smem:$0x3F9A];
	_ =	swait.ge [sflag:s4], $0x0  }
0x19: {  	s7 =	sld [smem:$0x3F9B]  }
0x1a: {  	s8 =	sadd.s32 $0xFFFFE003, lr  }
0x1b: {  	s9 =	sadd.s32 $0xFFFFFEF7, lr;
	s5 =	simm.s32 $0xFFFFFFFF;
	p2 =	slt.u32 s8, $0xFFFFF086  }
0x1c: {  	p1 =	slt.u32 s9, $0xF7A;
	s5 =	simm.s32 @!p2 $0x0  }
0x1d: {  	s5 =	simm.s32 @p1 $0x1;
	p0 =	seq.s32 s7, s2  }
0x1e: {  	s7 =	smul.u32 @!p0 $0xF7A, s2;
	p2 =	seq.s32 @!p0 s5, $0x0  }
0x1f: {  	s9 =	smul.u32 $0xF7A, s1;
	s8 =	simm.s32 @!p0 $0x1BF5;
	p2 =	por !p2, p0  }
0x20: {  	[sflag:s8] =	ssyncset.s32 @!p0 $0xFFFFF086;
	s6 =	sadd.s32 @!p0 s3, s7;
	s7 =	simm.s32 @!p0 $0x108  }
0x21: {  	s3 =	sadd.s32 s3, s9;
	s6 =	sadd.s32 @!p0 $0x88, s6;
	s7 =	simm.s32 @p2 $0x1082  }
0x22: {  	[simem:s7], [sflag:s8] =	dma.local @!p0 [hbm:s6], $0xF7A  }
0x23: {  	s9 =	sor.u32 $0xD0000000, s2;
	s6 =	simm.s32 $0x108;
	_ =	swait.ge @!p0 [sflag:s8], $0x0  }
0x24: {  	s3 =	sadd.s32 $0x88, s3;
	s6 =	simm.s32 @!p1 $0x1082;
	[sflag:s4] =	ssyncset.s32 $0xFFFFF086  }
0x25: {  	[simem:s6], [sflag:s4] =	dma.local [hbm:s3], $0xF7A  }
0x26: {  	[smem:$0x3F9B] =	sst s1;
	(tag) =	ssettag s2;
	_ =	strace s9  }
0x27: {  	s1 =	sld [smem:$0x3FAB]  }
0x28: {  	s2 =	sld [smem:$0x3FAC]  }
0x29: {  	s4 =	sld [smem:$0x3FAE]  }
0x2a: {  	p0 =	seq.s32 s5, $0x0;
	s5 =	sld [smem:$0x3FAF]  }
0x2b: {  	s6 =	sld [smem:$0x3FB0]  }
0x2c: {  	s7 =	sld [smem:$0x3FB1]  }
0x2d: {  	s3 =	simm.s32 $0x108;
	s8 =	sld [smem:$0x3FB2]  }
0x2e: {  	s3 =	simm.s32 @!p0 $0x1082;
	s9 =	sld [smem:$0x3FB3]  }
0x2f: {  	lr =	sadd.s32 s0, s3;
	s0 =	sld [smem:$0x3FAA]  }
0x30: {  	s3 =	sld [smem:$0x3FAD]  }
0x31: {  	[smem:$0x3FB6] =	sst s10  }
0x32: {  	s10 =	sld [smem:$0x3FB4];
	_ =	sdelay $0x3  }
0x33: {  	p0 =	seq.s32 s10, $0x1;
	s10 =	sld [smem:$0x3FB6];
	_ =	sdelay $0x3  }
0x34: {  	[smem:$0x3FB6] =	sst s10  }
0x35: {  	s10 =	sld [smem:$0x3FB5];
	_ =	sdelay $0x3  }
0x36: {  	p1 =	seq.s32 s10, $0x1;
	s10 =	sld [smem:$0x3FB6];
	_ =	sdelay $0x3  }
0x37: {  	[smem:$0x3FB6] =	sst s10  }
0x38: {  	s10 =	sld [smem:$0x3FB7]  }
0x39: {  	_ = 	snop;
	(pc) =	sbr.ind lr, $3  }
0x3a: {  	_ = 	snop  }
0x3b: {  	_ = 	snop  }
0x3c: {  	p2 =	seq.s32 s10, $0x1;
	s10 =	sld [smem:$0x3FB6]  }
0x3d: {  	_ =	shalt  }
0x3e: {  	_ =	shalt  }
0x3f: {  	_ =	shalt  }
0x40: {  	_ =	shalt  }
0x41: {  	_ =	shalt  }
0x42: {  	_ =	shalt  }
0x43: {  	_ =	shalt  }
0x44: {  	_ =	shalt  }
0x45: {  	_ =	shalt  }
0x46: {  	_ =	shalt  }
0x47: {  	_ =	shalt  }
0x48: {  	_ =	shalt  }
0x49: {  	_ =	shalt  }
0x4a: {  	_ =	shalt  }
0x4b: {  	_ =	shalt  }
0x4c: {  	_ =	shalt  }
0x4d: {  	_ =	shalt  }
0x4e: {  	_ =	shalt  }
0x4f: {  	_ =	shalt  }
0x50: {  	_ =	shalt  }
0x51: {  	_ =	shalt  }
0x52: {  	_ =	shalt  }
0x53: {  	_ =	shalt  }
0x54: {  	_ =	shalt  }
0x55: {  	_ =	shalt  }
0x56: {  	_ =	shalt  }
0x57: {  	_ =	shalt  }
0x58: {  	_ =	shalt  }
0x59: {  	_ =	shalt  }
0x5a: {  	_ =	shalt  }
0x5b: {  	_ =	shalt  }
0x5c: {  	_ =	shalt  }
0x5d: {  	_ =	shalt  }
0x5e: {  	_ =	shalt  }
0x5f: {  	_ =	shalt  }
0x60: {  	_ =	shalt  }
0x61: {  	_ =	shalt  }
0x62: {  	_ =	shalt  }
0x63: {  	_ =	shalt  }
0x64: {  	_ =	shalt  }
0x65: {  	_ =	shalt  }
0x66: {  	_ =	shalt  }
0x67: {  	_ =	shalt  }
0x68: {  	_ =	shalt  }
0x69: {  	_ =	shalt  }
0x6a: {  	_ =	shalt  }
0x6b: {  	_ =	shalt  }
0x6c: {  	_ =	shalt  }
0x6d: {  	_ =	shalt  }
0x6e: {  	_ =	shalt  }
0x6f: {  	_ =	shalt  }
0x70: {  	_ =	shalt  }
0x71: {  	_ =	shalt  }
0x72: {  	_ =	shalt  }
0x73: {  	_ =	shalt  }
0x74: {  	_ =	shalt  }
0x75: {  	_ =	shalt  }
0x76: {  	_ =	shalt  }
0x77: {  	_ =	shalt  }
0x78: {  	_ =	shalt  }
0x79: {  	_ =	shalt  }
0x7a: {  	_ =	shalt  }
0x7b: {  	_ =	shalt  }
0x7c: {  	_ =	shalt  }
0x7d: {  	_ =	shalt  }
0x7e: {  	_ =	shalt  }
0x7f: {  	_ =	shalt  }
0x80: {  	_ =	shalt  }
0x81: {  	_ =	shalt  }
0x82: {  	_ =	shalt  }
0x83: {  	_ =	shalt  }
0x84: {  	_ =	shalt  }
0x85: {  	_ =	shalt  }
0x86: {  	_ =	shalt  }
0x87: {  	_ =	shalt  }
.Lfunc_end0:
.L_simem_size_0:
called_computation.3_lowered:
.L_overlay_start_0:
0x88: {  	s2 =	sld [smem:$0x3FD9]  }
0x89: {  	s3 =	sld [smem:$0x3FFE];
	_ =	sdelay $0x1  }
0x8a: {  	s1 =	srdreg.scid  }
0x8b: {  	s0 =	sand.u32 $0x1, s1  }
0x8c: {  	s17 =	sshll.u32 s0, $0xA;
	s2 =	sadd.s32 s3, s2  }
0x8d: {  	s2 =	sadd.s32 s2, s17  }
0x8e: {  	[smem:$0x3FC2] =	sst s2  }
0x8f: {  	_ = 	snop  }
0x90: {  	(tm) =	ssettm $0x1  }
0x91: {  	s18 =	sld [smem:$0x3FFB];
	_ =	sdelay $0x3  }
0x92: {  	_ =	strace s18  }
0x93: {  	s2 =	sld [smem:$0x3FFC];
	_ =	sdelay $0x3  }
0x94: {  	_ =	strace s2  }
0x95: {  	s2 =	sld [smem:$0x3FFD];
	_ =	sdelay $0x3  }
0x96: {  	_ =	strace s2  }
0x97: {  	_ =	strace $0x8FFFFFFF  }
0x98: {  	s19 =	sld [smem:$0x3FDB];
	_ =	sdelay $0x1  }
0x99: {  	s20 =	simm.s32 $_scs_section_size  }
0x9a: {  	s4 =	simm.s32 $_size__tile_overlayer_lowered;
	s5 =	simm.s32 $_tile_overlayer_lowered  }
0x9b: {  	s6 =	simm.s32 $0x1BFF;
	s21 =	sshll.u32 s5, $0x1;
	s3 =	sadd.s32 s20, s19  }
0x9c: {  	s22 =	simm.s32 $0x0;
	s4 =	sshll.u32 s4, $0x1;
	s5 =	sadd.s32 s21, s3  }
0x9d: {  	[timem:s22], [sflag:s6] =	dma.local [hbm:s5], s4  }
0x9e: {  	_ =	swait.ge [sflag:s6], s4  }
0x9f: {  	s4 =	ssub.s32 $0x0, s4;
	[sflag:s6] =	ssyncset.done $0x0  }
0xa0: {  	[sflag:s6] =	ssyncadd.s32 s4;
	_ =	sdelay $0x1  }
0xa1: {  	s23 =	simm.s32 $0x1B8B  }
0xa2: {  	_ =	swait.ge [sflag:s23], $0x1  }
0xa3: {  	[sflag:s23] =	ssyncset.done $0x0  }
0xa4: {  	[sflag:s23] =	ssyncadd.s32 $0xFFFFFFFF  }
0xa5: {  	s4 =	sld [smem:$0x0]  }
0xa6: {  	s5 =	sand.u32 $0xFFFFFFFE, s1  }
0xa7: {  	p0 =	sne.s32 s1, s5  }
0xa8: {  	s5 =	sshll.u32 @p0 s5, $0xE  }
0xa9: {  	s5 =	sadd.s32 @p0 $0x11B8D, s5;
	s6 =	sshll.u32 @p0 s4, $0x11  }
0xaa: {  	s5 =	sor.u32 @p0 s6, s5  }
0xab: {  	[sflag:s5] =	ssyncadd.remote.s32 @p0 $0x1;
	_ =	sdelay $0x1  }
0xac: {  	s5 =	simm.s32 @p0 $0x1B8D  }
0xad: {  	_ =	swait.eq @p0 [sflag:s5], $0x1  }
0xae: {  	[sflag:s5] =	ssyncadd.s32 @p0 $0xFFFFFFFF  }
0xaf: {  	s6 =	sshll.u32 @!p0 s1, $0xE  }
0xb0: {  	s6 =	sor.u32 @!p0 $0x4000, s6;
	s5 =	simm.s32 @!p0 $0x1B8D  }
0xb1: {  	s4 =	sshll.u32 @!p0 s4, $0x11;
	s6 =	sadd.s32 @!p0 $0x11B8D, s6;
	_ =	swait.eq @!p0 [sflag:s5], $0x1  }
0xb2: {  	s4 =	sor.u32 @!p0 s4, s6;
	[sflag:s5] =	ssyncadd.s32 @!p0 $0xFFFFFFFF  }
0xb3: {  	s25 =	simm.s32 $0x1B8E;
	s24 =	sld [smem:$0x3FFE];
	[sflag:s4] =	ssyncadd.remote.s32 @!p0 $0x1  }
0xb4: {  	s26 =	simm.s32 $execute0_lowered;
	[smem:$0x3FD2] =	sst s25  }
0xb5: {  	s5 =	sshll.u32 s26, $0x1;
	_ =	strace $0x8000004F;
	[dreg:$0x1] =	wrdreg $0xFFFFFFFF  }
0xb6: {  	s28 =	simm.s32 $_size_execute0_lowered;
	s3 =	sadd.s32 s3, s5;
	[dreg:$0x0] =	wrdreg $0x0  }
0xb7: {  	s5 =	sshll.u32 s28, $0x1;
	[dreg:$0x2] =	wrdreg s3  }
0xb8: {  	[dreg:$0x3] =	wrdreg s5  }
0xb9: {  	[dreg:$0x4] =	wrdreg $0xC0  }
0xba: {  	_ =	task [dreg:s22], $0x5FFFF  }
0xbb: {  	[dreg:$0x1] =	wrdreg $0xFFFFFFFF  }
0xbc: {  	[dreg:$0x0] =	wrdreg $0x60  }
0xbd: {  	[dreg:$0x2] =	wrdreg s24  }
0xbe: {  	[dreg:$0x3] =	wrdreg $0xC  }
0xbf: {  	_ =	task.clear_ibuf [dreg:s22], $0x4FFFF;
	_ =	strace $0x9000004F  }
0xc0: {  	s29 =	simm.s32 $0xC;
	_ =	strace $0x80000051  }
0xc1: {  	_ =	swait.ge [sflag:s29], $0x1  }
0xc2: {  	[sflag:s29] =	ssyncadd.s32 $0xFFFFFFFF  }
0xc3: {  	_ =	strace $0x90000051  }
0xc4: {  	_ =	sfence  }
0xc5: {  	s30 =	sld [smem:$0x0];
	_ =	sdelay $0x2  }
0xc6: {  	s31 =	sshll.u32 s1, $0xD;
	s1 =	sshrl.u32 s1, $0x2  }
0xc7: {  	s4 =	sand.u32 $0x4000, s31;
	s1 =	sadd.s32 s1, s30  }
0xc8: {  	s0 =	sor.u32 s4, s0;
	s1 =	sshll.u32 s1, $0x11  }
0xc9: {  	s0 =	sor.u32 s1, s0  }
0xca: {  	s0 =	sadd.s32 $0x8F2B, s0  }
0xcb: {  	[sflag:s0] =	ssyncadd.remote.s32 $0x1  }
0xcc: {  	_ =	sfence.sel $0xFFFF  }
0xcd: {  	[dreg:$0x0] =	wrdreg $0xFFFFFFFF;
	(pc) =	sbr.abs _section_cstart, $3  }
0xce: {  	[dreg:$0x1] =	wrdreg $0xFFFFFFFF  }
0xcf: {  	_ =	task.clear_ibuf [dreg:s22], $0x2FFFF;
	_ =	strace $0x9FFFFFFF  }
0xd0: {  	(tm) =	ssettm $0x7FFFFFFF  }
0xd1: {  	_ =	shalt  }
tec
execute0_lowered:
.L_overlay_start_1:
0x0: {  	(tag) =	ssettag $0x1  }
0x1: {  	s1 =	srdreg.scid  }
0x2: {  	s0 =	stileid.u32;
	s16 =	sand.u32 $0x1, s1  }
0x3: {  	s30 =	sshll.u32 s0, $0xA;
	s2 =	sshll.u32 s16, $0x9  }
0x4: {  	s14 =	rddreg [dreg:$0x0];
	s15 =	sor.u32 s2, s30  }
0x5: {  	s1 =	rddreg [dreg:$0x1];
	s2 =	simm.s32 $0x0;
	s3 =	sshrl.u32 s15, $0x3  }
0x6: {  	[smem:$0x7FF] =	sst s2;
	s3 =	sadd.s32 s3, s14  }
0x7: {  	_ =	strace $0x80000050;
	s4 =	sadd.s32 $0x4600, s3;
	s3 =	simm.s32 $0x3  }
0x8: {  	[tilespmem:s2], [sflag:$0x3] =	stream.linear.gather [hbm4b:s4+s2], $0x200, $0x38;
	[tilespmem:$0x10200] =	vst v63  }
0x9: {  	_ =	swait.ge [sflag:s3], $0x200  }
0xa: {  	s6 =	simm.s32 $0x80;
	[sflag:s3] =	ssyncset.done $0x0  }
0xb: {  	s7 =	simm.s32 $0x200;
	s5 =	sadd.s32 $0xBB9600, s14;
	[sflag:s3] =	ssyncadd.s32 $0xFFFFFE00  }
0xc: {  	[tilespmem:s7], [sflag:$0x1] =	stream.indirect.gather [hbm4b:s5+s6], $0x80, s2, s6, $0xb8;
	[tilespmem:$0x10200] =	vst v63  }
0xd: {  	s8 =	simm.s32 $0x4200  }
0xe: {  	[tilespmem:s8], [sflag:$0x1] =	stream.indirect.gather [hbm4b:s5+s6], $0x80, s6, s6, $0xb8;
	[tilespmem:$0x10200] =	vst v63  }
0xf: {  	s9 =	simm.s32 $0x100;
	s10 =	simm.s32 $0x8200  }
0x10: {  	[tilespmem:s10], [sflag:$0x2] =	stream.indirect.gather [hbm4b:s5+s6], $0x80, s9, s6, $0xb8;
	[tilespmem:$0x10200] =	vst v63  }
0x11: {  	s11 =	simm.s32 $0x180;
	s12 =	simm.s32 $0xC200;
	s13 =	simm.s32 $0x1  }
0x12: {  	[tilespmem:s12], [sflag:$0x2] =	stream.indirect.gather [hbm4b:s5+s6], $0x80, s11, s6, $0xb8;
	[tilespmem:$0x10200] =	vst v63  }
0x13: {  	_ =	swait.ge [sflag:s13], $0x4000  }
0x14: {  	[sflag:s13] =	ssyncset.done $0x0  }
0x15: {  	[sflag:s13] =	ssyncadd.s32 $0xFFFFC000  }
0x16: {  	s15 =	sshll.u32 s15, $0x4;
	_ =	swait.ge [sflag:s13], $0x4000  }
0x17: {  	s17 =	sadd.s32 s15, s14;
	[sflag:s13] =	ssyncset.done $0x0  }
0x18: {  	s14 =	sadd.s32 $0x4E00, s17;
	[sflag:s13] =	ssyncadd.s32 $0xFFFFC000  }
0x19: {  	[hbm4b:s14+s2] =	stream.linear.scatter [tilespmem:s7], [sflag:$0x3], $0x8000, $0x38;
	[tilespmem:$0x10200] =	vst v63  }
0x1a: {  	_ =	swait.ge [sflag:s3], $0x8000  }
0x1b: {  	[sflag:s3] =	ssyncset.done $0x0  }
0x1c: {  	s16 =	ssub.s32 $0x2, s16;
	s15 =	simm.s32 $0x2;
	[sflag:s3] =	ssyncadd.s32 $0xFFFF8000  }
0x1d: {  	s18 =	sshrl.u32 s16, $0x1;
	_ =	swait.ge [sflag:s15], $0x4000  }
0x1e: {  	s18 =	ssub.s32 s16, s18;
	[sflag:s15] =	ssyncset.done $0x0  }
0x1f: {  	s31 =	smax.u32 s18, $0x1;
	[sflag:s15] =	ssyncadd.s32 $0xFFFFC000  }
0x20: {  	p0 =	sne.s32 s31, $0x1;
	_ =	swait.ge [sflag:s15], $0x4000  }
.Ltmp0:
0x21: {  	[sflag:s15] =	ssyncset.done $0x0;
	(pc) =	sbr.rel @!p0 .LBB2_2-.Ltmp0, $4  }
0x22: {  	s16 =	sadd.s32 $0x5E00, s17;
	[sflag:s15] =	ssyncadd.s32 $0xFFFFC000  }
0x23: {  	[hbm4b:s16+s2] =	stream.linear.scatter [tilespmem:s10], [sflag:$0x3], $0x8000, $0x38;
	[tilespmem:$0x10200] =	vst v63  }
0x24: {  	_ =	swait.ge [sflag:s3], $0x8000  }
0x25: {  	s17 =	sadd.s32 $0xFFFFFFFF, s31;
	[sflag:s3] =	ssyncset.done $0x0  }
.LBB2_1:
0x26: {  	p0 =	sne.s32 s17, $0x1;
	s17 =	sadd.s32 $0xFFFFFFFF, s17;
	[sflag:s3] =	ssyncadd.s32 $0xFFFF8000  }
0x27: {  	[tilespmem:s2], [sflag:$0x3] =	stream.linear.gather [hbm4b:s4+s2], $0x200, $0x38;
	[tilespmem:$0x10200] =	vst v63  }
0x28: {  	_ =	swait.ge [sflag:s3], $0x200  }
0x29: {  	[sflag:s3] =	ssyncset.done $0x0  }
0x2a: {  	[sflag:s3] =	ssyncadd.s32 $0xFFFFFE00  }
0x2b: {  	[tilespmem:s7], [sflag:$0x1] =	stream.indirect.gather [hbm4b:s5+s6], $0x80, s2, s6, $0xb8;
	[tilespmem:$0x10200] =	vst v63  }
0x2c: {  	_ = 	snop  }
0x2d: {  	[tilespmem:s8], [sflag:$0x1] =	stream.indirect.gather [hbm4b:s5+s6], $0x80, s6, s6, $0xb8;
	[tilespmem:$0x10200] =	vst v63  }
0x2e: {  	_ = 	snop  }
0x2f: {  	[tilespmem:s10], [sflag:$0x2] =	stream.indirect.gather [hbm4b:s5+s6], $0x80, s9, s6, $0xb8;
	[tilespmem:$0x10200] =	vst v63  }
0x30: {  	_ = 	snop  }
0x31: {  	[tilespmem:s12], [sflag:$0x2] =	stream.indirect.gather [hbm4b:s5+s6], $0x80, s11, s6, $0xb8;
	[tilespmem:$0x10200] =	vst v63  }
0x32: {  	_ =	swait.ge [sflag:s13], $0x4000  }
0x33: {  	[sflag:s13] =	ssyncset.done $0x0  }
0x34: {  	[sflag:s13] =	ssyncadd.s32 $0xFFFFC000  }
0x35: {  	_ =	swait.ge [sflag:s13], $0x4000  }
0x36: {  	[sflag:s13] =	ssyncset.done $0x0  }
0x37: {  	[sflag:s13] =	ssyncadd.s32 $0xFFFFC000  }
0x38: {  	[hbm4b:s14+s2] =	stream.linear.scatter [tilespmem:s7], [sflag:$0x3], $0x8000, $0x38;
	[tilespmem:$0x10200] =	vst v63  }
0x39: {  	_ =	swait.ge [sflag:s3], $0x8000  }
0x3a: {  	[sflag:s3] =	ssyncset.done $0x0  }
0x3b: {  	[sflag:s3] =	ssyncadd.s32 $0xFFFF8000  }
0x3c: {  	_ =	swait.ge [sflag:s15], $0x4000  }
0x3d: {  	[sflag:s15] =	ssyncset.done $0x0  }
0x3e: {  	[sflag:s15] =	ssyncadd.s32 $0xFFFFC000  }
0x3f: {  	_ =	swait.ge [sflag:s15], $0x4000  }
.Ltmp1:
0x40: {  	[sflag:s15] =	ssyncset.done $0x0;
	(pc) =	sbr.rel @p0 .LBB2_1-.Ltmp1, $4  }
0x41: {  	[sflag:s15] =	ssyncadd.s32 $0xFFFFC000  }
0x42: {  	[hbm4b:s16+s2] =	stream.linear.scatter [tilespmem:s10], [sflag:$0x3], $0x8000, $0x38;
	[tilespmem:$0x10200] =	vst v63  }
0x43: {  	_ =	swait.ge [sflag:s3], $0x8000  }
0x44: {  	[sflag:s3] =	ssyncset.done $0x0  }
.LBB2_2:
0x45: {  	[sflag:s3] =	ssyncadd.s32 $0xFFFF8000  }
0x46: {  	_ =	sfence.sel $0x180000  }
0x47: {  	[bflag:$0x0] =	sbarrier.arrive $0xFFFF  }
0x48: {  	p0 =	sne.s32 s0, $0x0;
	_ =	strace $0x90000050  }
0x49: {  	s0 =	sadd.s32 @!p0 $0x100000, s1;
	[bflag:$0x2] =	sbarrier.arrive $0xFFFF  }
0x4a: {  	[sflag:s0] =	ssyncadd.tile.s32 @!p0 $0x1;
	_ =	shalt  }
.Lfunc_end2:
_tile_overlayer_lowered:
.L_overlay_start_2:
0x4b: {  	(tag) =	ssettag $0x2  }
0x4c: {  	s0 =	rddreg [dreg:$0x0];
	s2 =	stileid.u32  }
0x4d: {  	s1 =	rddreg [dreg:$0x1];
	p0 =	sne.s32 s2, $0x0  }
0x4e: {  	s3 =	rddreg [dreg:$0x2];
	[bflag:$0x3] =	sbarrier.arrive $0xFFFF;
	s2 =	simm.s32 @!p0 $0x1C03  }
0x4f: {  	[timem:s3], [sflag:s2] =	dma.local @!p0 [hbm:s0], s1  }
0x50: {  	s0 =	simm.s32 @!p0 $0x3  }
0x51: {  	_ =	swait.ge @!p0 [sflag:s0], s1  }
0x52: {  	s1 =	ssub.s32 @!p0 $0x0, s1;
	[sflag:s0] =	ssyncset.done @!p0 $0x0  }
0x53: {  	[sflag:s0] =	ssyncadd.s32 @!p0 s1  }
0x54: {  	[bflag:$0x3] =	sbarrier.arrive $0xFFFF  }
0x55: {  	_ =	shalt  }

</sc_bundles>
